<compile_context>
chip_gen: v7x
topology: tpu7x:2x2x1
jax: 0.10.2.dev20260603
libtpu: 0.0.44.dev20260713+nightly
codegen_flags: <defaults>
</compile_context>

<pallas_src>
import functools

import numpy as np
import jax
import jax.numpy as jnp
from jax import lax
from jax.experimental import pallas as pl
from jax.experimental.pallas import tpu as pltpu
from jax.experimental.pallas import tpu_sc as plsc

_VOCAB = 1000000
_B = 16384
_ND = 13
_NS = 26
_ED = 128
_NF = _NS + 1

_r, _c = np.triu_indices(_NF)
_PAIR = np.zeros((_NF, _NF), dtype=np.int32)
_PAIR[_r, _c] = np.arange(_r.size, dtype=np.int32)
_PAIR[_c, _r] = _PAIR[_r, _c]
_PERM = np.concatenate([np.arange(1, _NF), [0]])
_PAIRP = _PAIR[np.ix_(_PERM, _PERM)]
_INV = _PAIRP.reshape(-1)
_SCALE = np.where(np.eye(_NF, dtype=bool), 1.0, 0.5).reshape(-1).astype(np.float32)

_NC = 2
_NSUB = 16
_NW = _NC * _NSUB
_CH = 128
_GRP = 2


def _sc_gather(table, idx):
    tot = idx.shape[0]
    bpw = tot // _NW
    nchunk = bpw // _CH
    assert nchunk * _CH == bpw and bpw * _NW == tot
    grp = _GRP if nchunk % (2 * _GRP) == 0 else 1
    grpc = grp * _CH
    npair = nchunk // (2 * grp)
    tail = nchunk - npair * 2 * grp
    assert tail in (0, 1)
    max_delta = max((w * nchunk) % 8 for w in range(_NW))
    ncopy = -(-(nchunk + max_delta) // 8) * 8
    rows = tot // _CH
    pad_rows = max(0, max((w * nchunk) // 8 * 8 for w in range(_NW))
                   + ncopy - rows)
    idx2 = idx.reshape(rows, _CH)
    if pad_rows:
        idx2 = jnp.concatenate(
            [idx2, jnp.zeros((pad_rows, _CH), jnp.int32)], axis=0)
    mesh = plsc.VectorSubcoreMesh(core_axis_name="c", subcore_axis_name="s")

    @functools.partial(
        pl.kernel,
        out_type=jax.ShapeDtypeStruct((tot, _ED), jnp.float32),
        mesh=mesh,
        scratch_types=[
            pltpu.VMEM((ncopy, _CH), jnp.int32),
            pltpu.VMEM((2, grpc, _ED), jnp.float32),
            pltpu.SemaphoreType.DMA,
            pltpu.SemaphoreType.DMA,
            pltpu.SemaphoreType.DMA,
            pltpu.SemaphoreType.DMA,
        ],
    )
    def k(idx_hbm, table_hbm, out_hbm, idx_v, rows_v, gs0, gs1, os0, os1):
        wid = lax.axis_index("s") * _NC + lax.axis_index("c")
        start = wid * nchunk
        astart = pl.multiple_of(start // 8 * 8, 8)
        delta = start - astart
        pltpu.sync_copy(idx_hbm.at[pl.ds(astart, ncopy)], idx_v)
        gsems = (gs0, gs1)
        osems = (os0, os1)

        def out_cp(buf, g):
            dst = out_hbm.at[pl.ds(wid * bpw + g * grpc, grpc)]
            return pltpu.make_async_copy(rows_v.at[buf], dst, osems[buf])

        def gather_cp(buf, j, c):
            return pltpu.make_async_copy(
                table_hbm.at[idx_v.at[delta + j]],
                rows_v.at[buf].at[pl.ds(c * _CH, _CH)],
                gsems[buf],
            )

        def body(it, carry):
            gathers = []
            for buf in range(2):
                @pl.when(it > 0)
                def _drain():
                    out_cp(buf, 0).wait()

                for c in range(grp):
                    cp = gather_cp(buf, (2 * it + buf) * grp + c, c)
                    cp.start()
                    gathers.append(cp)
            for buf in range(2):
                for c in range(grp):
                    gathers[buf * grp + c].wait()
                out_cp(buf, 2 * it + buf).start()
            return carry

        lax.fori_loop(0, npair, body, 0)
        if tail:
            out_cp(0, 0).wait()
            cp = gather_cp(0, nchunk - 1, 0)
            cp.start()
            cp.wait()
            out_cp(0, nchunk - 1).start()
        out_cp(0, 0).wait()
        out_cp(1, 0).wait()

    return k(idx2, table)


_BB = 512


def _tc_body(dense_ref, emb_ref, wb0, bb0, wb1, bb1, wb2, bb2, w0a, w2,
             bt0, wt1, bt1, wt2, bt2, wt3, bt3, wt4, bt4, out_ref):
    f32 = jnp.float32
    d = dense_ref[...]
    h = jnp.maximum(jnp.dot(d, wb0[...], preferred_element_type=f32) + bb0[...], 0.0)
    h = jnp.maximum(jnp.dot(h, wb1[...], preferred_element_type=f32) + bb1[...], 0.0)
    ed = jnp.maximum(jnp.dot(h, wb2[...], preferred_element_type=f32) + bb2[...], 0.0)
    emb3 = emb_ref[...].reshape(_BB, _NS, _ED)
    cc = jnp.concatenate([emb3, ed[:, None, :]], axis=1)
    g = lax.dot_general(cc, cc, (((2,), (2,)), ((0,), (0,))),
                        preferred_element_type=f32)
    gf = g.reshape(_BB, _NF * _NF)
    t = (jnp.dot(ed, w0a[...], preferred_element_type=f32)
         + jnp.dot(gf, w2[...], preferred_element_type=f32) + bt0[...])
    t = jnp.maximum(t, 0.0)
    t = jnp.maximum(jnp.dot(t, wt1[...], preferred_element_type=f32) + bt1[...], 0.0)
    t = jnp.maximum(jnp.dot(t, wt2[...], preferred_element_type=f32) + bt2[...], 0.0)
    t = jnp.maximum(jnp.dot(t, wt3[...], preferred_element_type=f32) + bt3[...], 0.0)
    out_ref[...] = jnp.dot(t, wt4[...], preferred_element_type=f32) + bt4[...]


def _full(a):
    return pl.BlockSpec(a.shape, lambda i: (0,) * a.ndim)


def _tc_fused(dense, emb2d, weights):
    nblk = dense.shape[0] // _BB
    in_specs = [
        pl.BlockSpec((_BB, _ND), lambda i: (i, 0)),
        pl.BlockSpec((_BB * _NS, _ED), lambda i: (i, 0)),
    ] + [_full(w) for w in weights]
    return pl.pallas_call(
        _tc_body,
        grid=(nblk,),
        in_specs=in_specs,
        out_specs=pl.BlockSpec((_BB, 1), lambda i: (i, 0)),
        out_shape=jax.ShapeDtypeStruct((dense.shape[0], 1), jnp.float32),
    )(dense, emb2d, *weights)


_SLICES = (4096, 4096, 4096, 4096)
assert sum(_SLICES) == _B and all(s % _BB == 0 for s in _SLICES)


def kernel(x, emb_table, Wb0, bb0, Wb1, bb1, Wb2, bb2, Wt0, bt0, Wt1, bt1,
           Wt2, bt2, Wt3, bt3, Wt4, bt4):
    dense = x[:, :_ND]
    idx = (x[:, _ND:].astype(jnp.int32) % _VOCAB).reshape(-1)
    bf16 = jnp.bfloat16
    w0a = Wt0[:_ED].astype(bf16)
    w2 = (Wt0[_ED:][_INV] * _SCALE[:, None]).astype(bf16)
    weights = (
        Wb0.astype(bf16), bb0.reshape(1, -1), Wb1.astype(bf16),
        bb1.reshape(1, -1), Wb2.astype(bf16), bb2.reshape(1, -1), w0a, w2,
        bt0.reshape(1, -1), Wt1.astype(bf16), bt1.reshape(1, -1),
        Wt2.astype(bf16), bt2.reshape(1, -1), Wt3.astype(bf16),
        bt3.reshape(1, -1), Wt4.astype(bf16), bt4.reshape(1, -1),
    )
    outs = []
    off = 0
    for n in _SLICES:
        emb2d = _sc_gather(emb_table, idx[off * _NS:(off + n) * _NS])
        outs.append(_tc_fused(dense[off:off + n], emb2d, weights))
        off += n
    return jnp.concatenate(outs, axis=0)

# --- scband reference (transcript-rebuilt; emitter-appended) ---
"""Pipeline reference for scband-dlrm-small-48576080117969 (READ-ONLY COPY).

The authoritative reference and input builder live on the scoring server;
editing this copy changes nothing except your own understanding.
"""

import jax, jax.numpy as jnp
import numpy as np

VOCAB = 1000000
B = 16384
ND = 13
NS = 26
ED = 128
BOT = [512, 256, 128]
TOP = [1024, 1024, 512, 256, 1]


def _lin_w(k, fi, fo, glorot=True):
    if glorot:
        limit = float(np.sqrt(6.0 / (fi + fo)))
        return jax.random.uniform(k, (fi, fo), minval=-limit, maxval=limit, dtype=jnp.float32)
    else:
        std = float(np.sqrt(2.0 / (fi + fo)))
        return std * jax.random.normal(k, (fi, fo), dtype=jnp.float32)


def _lin_b(k, fo):
    return float(np.sqrt(1.0 / fo)) * jax.random.normal(k, (fo,), dtype=jnp.float32)


def setup_inputs(seed: int = 0) -> dict:
    key = jax.random.key(seed)
    ks = jax.random.split(key, 20)
    # x: 13 dense features + 26 sparse id features, stored as float32 (as in the torch model)
    x = jax.random.randint(ks[0], (B, ND + NS), 0, VOCAB).astype(jnp.float32)
    emb_table = jax.random.uniform(ks[1], (VOCAB, ED), dtype=jnp.float32) * (1.0 / np.sqrt(VOCAB))
    inp = {"x": x, "emb_table": emb_table}
    # bottom MLP
    fi = ND
    for i, fo in enumerate(BOT):
        inp[f"Wb{i}"] = _lin_w(ks[2 + 2 * i], fi, fo, glorot=True)
        inp[f"bb{i}"] = _lin_b(ks[3 + 2 * i], fo)
        fi = fo
    # top MLP (input dim hardcoded to 506 in the torch model)
    fi = 506
    for i, fo in enumerate(TOP):
        inp[f"Wt{i}"] = _lin_w(ks[8 + 2 * i], fi, fo, glorot=False)
        inp[f"bt{i}"] = _lin_b(ks[9 + 2 * i], fo)
        fi = fo
    return inp


def reference(x, emb_table, Wb0, bb0, Wb1, bb1, Wb2, bb2, Wt0, bt0, Wt1, bt1, Wt2, bt2, Wt3, bt3, Wt4, bt4):
    batch = x.shape[0]
    dense = x[:, :ND]
    sparse = x[:, ND:].astype(jnp.int32)
    idx = jnp.reshape(sparse, (-1,)) % VOCAB
    embedded_sparse = jnp.take(emb_table, idx, axis=0).reshape(batch, -1, ED)
    # bottom MLP
    h = jax.nn.relu(dense @ Wb0 + bb0)
    h = jax.nn.relu(h @ Wb1 + bb1)
    embedded_dense = jax.nn.relu(h @ Wb2 + bb2)
    # dot interaction
    combined = jnp.concatenate([embedded_dense[:, None, :], embedded_sparse], axis=1)
    interactions = jnp.einsum('bik,bjk->bij', combined, combined)
    r, c = jnp.triu_indices(NS + 1)
    interactions_flat = interactions[:, r, c]
    z = jnp.concatenate([embedded_dense, interactions_flat], axis=1)
    # top MLP
    t = jax.nn.relu(z @ Wt0 + bt0)
    t = jax.nn.relu(t @ Wt1 + bt1)
    t = jax.nn.relu(t @ Wt2 + bt2)
    t = jax.nn.relu(t @ Wt3 + bt3)
    logits = t @ Wt4 + bt4
    return logits

if __name__ == "__main__":
    import jax
    _d = setup_inputs()
    print(jax.jit(kernel)(*tuple(_d.values())))

</pallas_src>

<mosaic_0001>
#map = affine_map<(d0, d1) -> (0, 0)>
module attributes {stable_mosaic.version = 14 : i64} {
  func.func @k(%arg0: i32, %arg1: i32, %arg2: memref<832x128xi32, #tpu.memory_space<hbm>>, %arg3: memref<1000000x128xf32, #tpu.memory_space<hbm>>, %arg4: memref<106496x128xf32, #tpu.memory_space<hbm>>, %arg5: memref<32x128xi32, #tpu.memory_space<vmem>>, %arg6: memref<2x128x128xf32, #tpu.memory_space<vmem>>, %arg7: memref<!tpu.dma_semaphore, #tpu.memory_space<semaphore_mem>>, %arg8: memref<!tpu.dma_semaphore, #tpu.memory_space<semaphore_mem>>, %arg9: memref<!tpu.dma_semaphore, #tpu.memory_space<semaphore_mem>>, %arg10: memref<!tpu.dma_semaphore, #tpu.memory_space<semaphore_mem>>) attributes {dimension_semantics = [#tpu.dimension_semantics<core_parallel>, #tpu.dimension_semantics<subcore_parallel>], iteration_bounds = array<i64: 2, 16>, scalar_prefetch = 0 : i64, scratch_operands = 6 : i64, tpu.core_type = #tpu.core_type<sc_vector_subcore>, window_params = [{transform_indices = #map}, {transform_indices = #map}, {transform_indices = #map}]} {
    %mul3A = arith.constant 2 : i32
    %mul3A_0 = arith.muli %arg1, %mul3A : i32
    %add3A = arith.addi %mul3A_0, %arg0 : i32
    %mul3A_1 = arith.constant 26 : i32
    %mul3A_2 = arith.muli %add3A, %mul3A_1 : i32
    %jit3A = arith.constant 8 : i32
    %div3A = arith.divsi %mul3A_2, %jit3A : i32
    %sign3A = arith.constant 0 : i32
    %sign3A_3 = arith.cmpi sgt, %mul3A_2, %sign3A : i32
    %sign3A_4 = arith.extui %sign3A_3 : i1 to i32
    %sign3A_5 = arith.constant 0 : i32
    %sign3A_6 = arith.cmpi slt, %mul3A_2, %sign3A_5 : i32
    %sign3A_7 = arith.extui %sign3A_6 : i1 to i32
    %sign3A_8 = arith.subi %sign3A_4, %sign3A_7 : i32
    %sign3A_9 = arith.constant 0 : i32
    %sign3A_10 = arith.cmpi sgt, %jit3A, %sign3A_9 : i32
    %sign3A_11 = arith.extui %sign3A_10 : i1 to i32
    %sign3A_12 = arith.constant 0 : i32
    %sign3A_13 = arith.cmpi slt, %jit3A, %sign3A_12 : i32
    %sign3A_14 = arith.extui %sign3A_13 : i1 to i32
    %sign3A_15 = arith.subi %sign3A_11, %sign3A_14 : i32
    %ne3A = arith.cmpi ne, %sign3A_8, %sign3A_15 : i32
    %rem3A = arith.remsi %mul3A_2, %jit3A : i32
    %ne3A_16 = arith.constant 0 : i32
    %ne3A_17 = arith.cmpi ne, %rem3A, %ne3A_16 : i32
    %and3A = arith.andi %ne3A, %ne3A_17 : i1
    %sub3A = arith.constant 1 : i32
    %sub3A_18 = arith.subi %div3A, %sub3A : i32
    %select_n3A = arith.select %and3A, %sub3A_18, %div3A : i32
    %mul3A_19 = arith.constant 8 : i32
    %mul3A_20 = arith.muli %select_n3A, %mul3A_19 : i32
    %multiple_of3A = tpu.assume_multiple %mul3A_20, 8 : i32
    %sub3A_21 = arith.subi %mul3A_2, %multiple_of3A : i32
    "tpu.region"() ({
      %run_scoped3A = tpu.sem_alloc : memref<!tpu.dma_semaphore, #tpu.memory_space<semaphore_mem>>
      %dma_start3A = arith.constant 0 : i32
      %dma_start3A_60 = tpu.memref_slice %arg2[%multiple_of3A, %dma_start3A] : memref<832x128xi32, #tpu.memory_space<hbm>> -> memref<32x128xi32, #tpu.memory_space<hbm>>
      %dma_start3A_61 = arith.constant 0 : i32
      %dma_start3A_62 = tpu.memref_slice %arg2[%multiple_of3A, %dma_start3A_61] : memref<832x128xi32, #tpu.memory_space<hbm>> -> memref<32x128xi32, #tpu.memory_space<hbm>>
      tpu.enqueue_dma source(%dma_start3A_62 : memref<32x128xi32, #tpu.memory_space<hbm>>) target(%arg5 : memref<32x128xi32, #tpu.memory_space<vmem>>) target_semaphore(%run_scoped3A : memref<!tpu.dma_semaphore, #tpu.memory_space<semaphore_mem>>)
      %dma_wait3A_63 = arith.constant 0 : i32
      %dma_wait3A_64 = tpu.memref_slice %arg2[%multiple_of3A, %dma_wait3A_63] : memref<832x128xi32, #tpu.memory_space<hbm>> -> memref<32x128xi32, #tpu.memory_space<hbm>>
      %dma_wait3A_65 = arith.constant 0 : i32
      %dma_wait3A_66 = tpu.memref_slice %arg2[%multiple_of3A, %dma_wait3A_65] : memref<832x128xi32, #tpu.memory_space<hbm>> -> memref<32x128xi32, #tpu.memory_space<hbm>>
      tpu.wait_dma2 semaphore(%run_scoped3A : memref<!tpu.dma_semaphore, #tpu.memory_space<semaphore_mem>>) src(%dma_wait3A_66 : memref<32x128xi32, #tpu.memory_space<hbm>>) dst(%arg5 : memref<32x128xi32, #tpu.memory_space<vmem>>)
      tpu.yield
    }) : () -> ()
    %scan3A = arith.constant 0 : i32
    %scan3A_22 = arith.constant 0 : i32
    %scan3A_23 = arith.constant 13 : i32
    %scan3A_24 = arith.addi %scan3A_22, %scan3A_23 : i32
    %scan3A_25 = arith.constant 1 : i32
    scf.for %scan3A_60 = %scan3A_22 to %scan3A_24 step %scan3A_25  : i32 {
      %gt3A = arith.constant 0 : i32
      %gt3A_61 = arith.cmpi sgt, %scan3A_60, %gt3A : i32
      %convert_element_type3A = arith.extui %gt3A_61 : i1 to i32
      %cond3A = arith.constant 0 : i32
      %cond3A_62 = arith.cmpi ne, %convert_element_type3A, %cond3A : i32
      scf.if %cond3A_62 {
        %mul3A_185 = arith.constant 3328 : i32
        %mul3A_186 = arith.muli %add3A, %mul3A_185 : i32
        %add3A_187 = arith.constant 0 : i32
        %add3A_188 = arith.addi %mul3A_186, %add3A_187 : i32
        %dma_wait3A_189 = arith.constant 0 : i32
        %dma_wait3A_190 = arith.constant 0 : i32
        %dma_wait3A_191 = arith.constant 0 : i32
        %dma_wait3A_192 = tpu.memref_slice %arg6[%dma_wait3A_189, %dma_wait3A_190, %dma_wait3A_191] : memref<2x128x128xf32, #tpu.memory_space<vmem>> -> memref<1x128x128xf32, #tpu.memory_space<vmem>>
        %dma_wait3A_193 = tpu.memref_squeeze %dma_wait3A_192 : memref<1x128x128xf32, #tpu.memory_space<vmem>> -> memref<128x128xf32, #tpu.memory_space<vmem>>
        %dma_wait3A_194 = arith.constant 0 : i32
        %dma_wait3A_195 = tpu.memref_slice %arg4[%add3A_188, %dma_wait3A_194] : memref<106496x128xf32, #tpu.memory_space<hbm>> -> memref<128x128xf32, #tpu.memory_space<hbm>>
        %dma_wait3A_196 = arith.constant 0 : i32
        %dma_wait3A_197 = tpu.memref_slice %arg4[%add3A_188, %dma_wait3A_196] : memref<106496x128xf32, #tpu.memory_space<hbm>> -> memref<128x128xf32, #tpu.memory_space<hbm>>
        %dma_wait3A_198 = arith.constant 0 : i32
        %dma_wait3A_199 = arith.constant 0 : i32
        %dma_wait3A_200 = tpu.memref_slice %arg6[%dma_wait3A_189, %dma_wait3A_198, %dma_wait3A_199] : memref<2x128x128xf32, #tpu.memory_space<vmem>> -> memref<1x128x128xf32, #tpu.memory_space<vmem>>
        %dma_wait3A_201 = tpu.memref_squeeze %dma_wait3A_200 : memref<1x128x128xf32, #tpu.memory_space<vmem>> -> memref<128x128xf32, #tpu.memory_space<vmem>>
        tpu.wait_dma2 semaphore(%arg9 : memref<!tpu.dma_semaphore, #tpu.memory_space<semaphore_mem>>) src(%dma_wait3A_201 : memref<128x128xf32, #tpu.memory_space<vmem>>) dst(%dma_wait3A_197 : memref<128x128xf32, #tpu.memory_space<hbm>>)
      } else {
      }
      %mul3A_63 = arith.constant 2 : i32
      %mul3A_64 = arith.muli %mul3A_63, %scan3A_60 : i32
      %add3A_65 = arith.constant 0 : i32
      %add3A_66 = arith.addi %mul3A_64, %add3A_65 : i32
      %mul3A_67 = arith.constant 1 : i32
      %mul3A_68 = arith.muli %add3A_66, %mul3A_67 : i32
      %add3A_69 = arith.constant 0 : i32
      %add3A_70 = arith.addi %mul3A_68, %add3A_69 : i32
      %add3A_71 = arith.addi %sub3A_21, %add3A_70 : i32
      %dma_start3A = arith.constant 0 : i32
      %dma_start3A_72 = arith.constant 0 : i32
      %dma_start3A_73 = arith.constant 0 : i32
      %dma_start3A_74 = tpu.memref_slice %arg6[%dma_start3A, %dma_start3A_72, %dma_start3A_73] : memref<2x128x128xf32, #tpu.memory_space<vmem>> -> memref<1x128x128xf32, #tpu.memory_space<vmem>>
      %dma_start3A_75 = tpu.memref_squeeze %dma_start3A_74 : memref<1x128x128xf32, #tpu.memory_space<vmem>> -> memref<128x128xf32, #tpu.memory_space<vmem>>
      %dma_start3A_76 = arith.constant 0 : i32
      %dma_start3A_77 = arith.constant 0 : i32
      %dma_start3A_78 = tpu.memref_slice %dma_start3A_75[%dma_start3A_76, %dma_start3A_77] : memref<128x128xf32, #tpu.memory_space<vmem>> -> memref<128x128xf32, #tpu.memory_space<vmem>>
      %dma_start3A_79 = arith.constant 0 : i32
      %dma_start3A_80 = tpu.memref_slice %arg5[%add3A_71, %dma_start3A_79] : memref<32x128xi32, #tpu.memory_space<vmem>> -> memref<1x128xi32, #tpu.memory_space<vmem>>
      %dma_start3A_81 = tpu.memref_squeeze %dma_start3A_80 : memref<1x128xi32, #tpu.memory_space<vmem>> -> memref<128xi32, #tpu.memory_space<vmem>>
      %dma_start3A_82 = arith.constant 0 : i32
      %dma_start3A_83 = arith.constant 0 : i32
      %dma_start3A_84 = tpu.memref_slice %arg3[%dma_start3A_82, %dma_start3A_83] : memref<1000000x128xf32, #tpu.memory_space<hbm>> -> memref<1000000x128xf32, #tpu.memory_space<hbm>>
      tpu.enqueue_indirect_dma source(%dma_start3A_84 : memref<1000000x128xf32, #tpu.memory_space<hbm>>) target(%dma_start3A_78 : memref<128x128xf32, #tpu.memory_space<vmem>>) offsets(%dma_start3A_81 : memref<128xi32, #tpu.memory_space<vmem>>) semaphore(%arg7 : memref<!tpu.dma_semaphore, #tpu.memory_space<semaphore_mem>>)
      %gt3A_85 = arith.constant 0 : i32
      %gt3A_86 = arith.cmpi sgt, %scan3A_60, %gt3A_85 : i32
      %convert_element_type3A_87 = arith.extui %gt3A_86 : i1 to i32
      %cond3A_88 = arith.constant 0 : i32
      %cond3A_89 = arith.cmpi ne, %convert_element_type3A_87, %cond3A_88 : i32
      scf.if %cond3A_89 {
        %mul3A_185 = arith.constant 3328 : i32
        %mul3A_186 = arith.muli %add3A, %mul3A_185 : i32
        %add3A_187 = arith.constant 0 : i32
        %add3A_188 = arith.addi %mul3A_186, %add3A_187 : i32
        %dma_wait3A_189 = arith.constant 1 : i32
        %dma_wait3A_190 = arith.constant 0 : i32
        %dma_wait3A_191 = arith.constant 0 : i32
        %dma_wait3A_192 = tpu.memref_slice %arg6[%dma_wait3A_189, %dma_wait3A_190, %dma_wait3A_191] : memref<2x128x128xf32, #tpu.memory_space<vmem>> -> memref<1x128x128xf32, #tpu.memory_space<vmem>>
        %dma_wait3A_193 = tpu.memref_squeeze %dma_wait3A_192 : memref<1x128x128xf32, #tpu.memory_space<vmem>> -> memref<128x128xf32, #tpu.memory_space<vmem>>
        %dma_wait3A_194 = arith.constant 0 : i32
        %dma_wait3A_195 = tpu.memref_slice %arg4[%add3A_188, %dma_wait3A_194] : memref<106496x128xf32, #tpu.memory_space<hbm>> -> memref<128x128xf32, #tpu.memory_space<hbm>>
        %dma_wait3A_196 = arith.constant 0 : i32
        %dma_wait3A_197 = tpu.memref_slice %arg4[%add3A_188, %dma_wait3A_196] : memref<106496x128xf32, #tpu.memory_space<hbm>> -> memref<128x128xf32, #tpu.memory_space<hbm>>
        %dma_wait3A_198 = arith.constant 0 : i32
        %dma_wait3A_199 = arith.constant 0 : i32
        %dma_wait3A_200 = tpu.memref_slice %arg6[%dma_wait3A_189, %dma_wait3A_198, %dma_wait3A_199] : memref<2x128x128xf32, #tpu.memory_space<vmem>> -> memref<1x128x128xf32, #tpu.memory_space<vmem>>
        %dma_wait3A_201 = tpu.memref_squeeze %dma_wait3A_200 : memref<1x128x128xf32, #tpu.memory_space<vmem>> -> memref<128x128xf32, #tpu.memory_space<vmem>>
        tpu.wait_dma2 semaphore(%arg10 : memref<!tpu.dma_semaphore, #tpu.memory_space<semaphore_mem>>) src(%dma_wait3A_201 : memref<128x128xf32, #tpu.memory_space<vmem>>) dst(%dma_wait3A_197 : memref<128x128xf32, #tpu.memory_space<hbm>>)
      } else {
      }
      %mul3A_90 = arith.constant 2 : i32
      %mul3A_91 = arith.muli %mul3A_90, %scan3A_60 : i32
      %add3A_92 = arith.constant 1 : i32
      %add3A_93 = arith.addi %mul3A_91, %add3A_92 : i32
      %mul3A_94 = arith.constant 1 : i32
      %mul3A_95 = arith.muli %add3A_93, %mul3A_94 : i32
      %add3A_96 = arith.constant 0 : i32
      %add3A_97 = arith.addi %mul3A_95, %add3A_96 : i32
      %add3A_98 = arith.addi %sub3A_21, %add3A_97 : i32
      %dma_start3A_99 = arith.constant 1 : i32
      %dma_start3A_100 = arith.constant 0 : i32
      %dma_start3A_101 = arith.constant 0 : i32
      %dma_start3A_102 = tpu.memref_slice %arg6[%dma_start3A_99, %dma_start3A_100, %dma_start3A_101] : memref<2x128x128xf32, #tpu.memory_space<vmem>> -> memref<1x128x128xf32, #tpu.memory_space<vmem>>
      %dma_start3A_103 = tpu.memref_squeeze %dma_start3A_102 : memref<1x128x128xf32, #tpu.memory_space<vmem>> -> memref<128x128xf32, #tpu.memory_space<vmem>>
      %dma_start3A_104 = arith.constant 0 : i32
      %dma_start3A_105 = arith.constant 0 : i32
      %dma_start3A_106 = tpu.memref_slice %dma_start3A_103[%dma_start3A_104, %dma_start3A_105] : memref<128x128xf32, #tpu.memory_space<vmem>> -> memref<128x128xf32, #tpu.memory_space<vmem>>
      %dma_start3A_107 = arith.constant 0 : i32
      %dma_start3A_108 = tpu.memref_slice %arg5[%add3A_98, %dma_start3A_107] : memref<32x128xi32, #tpu.memory_space<vmem>> -> memref<1x128xi32, #tpu.memory_space<vmem>>
      %dma_start3A_109 = tpu.memref_squeeze %dma_start3A_108 : memref<1x128xi32, #tpu.memory_space<vmem>> -> memref<128xi32, #tpu.memory_space<vmem>>
      %dma_start3A_110 = arith.constant 0 : i32
      %dma_start3A_111 = arith.constant 0 : i32
      %dma_start3A_112 = tpu.memref_slice %arg3[%dma_start3A_110, %dma_start3A_111] : memref<1000000x128xf32, #tpu.memory_space<hbm>> -> memref<1000000x128xf32, #tpu.memory_space<hbm>>
      tpu.enqueue_indirect_dma source(%dma_start3A_112 : memref<1000000x128xf32, #tpu.memory_space<hbm>>) target(%dma_start3A_106 : memref<128x128xf32, #tpu.memory_space<vmem>>) offsets(%dma_start3A_109 : memref<128xi32, #tpu.memory_space<vmem>>) semaphore(%arg8 : memref<!tpu.dma_semaphore, #tpu.memory_space<semaphore_mem>>)
      %dma_wait3A_113 = arith.constant 0 : i32
      %dma_wait3A_114 = arith.constant 0 : i32
      %dma_wait3A_115 = arith.constant 0 : i32
      %dma_wait3A_116 = tpu.memref_slice %arg6[%dma_wait3A_113, %dma_wait3A_114, %dma_wait3A_115] : memref<2x128x128xf32, #tpu.memory_space<vmem>> -> memref<1x128x128xf32, #tpu.memory_space<vmem>>
      %dma_wait3A_117 = tpu.memref_squeeze %dma_wait3A_116 : memref<1x128x128xf32, #tpu.memory_space<vmem>> -> memref<128x128xf32, #tpu.memory_space<vmem>>
      %dma_wait3A_118 = arith.constant 0 : i32
      %dma_wait3A_119 = arith.constant 0 : i32
      %dma_wait3A_120 = tpu.memref_slice %dma_wait3A_117[%dma_wait3A_118, %dma_wait3A_119] : memref<128x128xf32, #tpu.memory_space<vmem>> -> memref<128x128xf32, #tpu.memory_space<vmem>>
      %dma_wait3A_121 = arith.constant 0 : i32
      %dma_wait3A_122 = tpu.memref_slice %arg5[%add3A_71, %dma_wait3A_121] : memref<32x128xi32, #tpu.memory_space<vmem>> -> memref<1x128xi32, #tpu.memory_space<vmem>>
      %dma_wait3A_123 = tpu.memref_squeeze %dma_wait3A_122 : memref<1x128xi32, #tpu.memory_space<vmem>> -> memref<128xi32, #tpu.memory_space<vmem>>
      %dma_wait3A_124 = arith.constant 0 : i32
      %dma_wait3A_125 = arith.constant 0 : i32
      %dma_wait3A_126 = tpu.memref_slice %arg3[%dma_wait3A_124, %dma_wait3A_125] : memref<1000000x128xf32, #tpu.memory_space<hbm>> -> memref<1000000x128xf32, #tpu.memory_space<hbm>>
      tpu.wait_indirect_dma semaphore(%arg7 : memref<!tpu.dma_semaphore, #tpu.memory_space<semaphore_mem>>) src(%dma_wait3A_126 : memref<1000000x128xf32, #tpu.memory_space<hbm>>) dst(%dma_wait3A_120 : memref<128x128xf32, #tpu.memory_space<vmem>>)
      %mul3A_127 = arith.constant 2 : i32
      %mul3A_128 = arith.muli %mul3A_127, %scan3A_60 : i32
      %add3A_129 = arith.constant 0 : i32
      %add3A_130 = arith.addi %mul3A_128, %add3A_129 : i32
      %mul3A_131 = arith.constant 3328 : i32
      %mul3A_132 = arith.muli %add3A, %mul3A_131 : i32
      %mul3A_133 = arith.constant 128 : i32
      %mul3A_134 = arith.muli %add3A_130, %mul3A_133 : i32
      %add3A_135 = arith.addi %mul3A_132, %mul3A_134 : i32
      %dma_start3A_136 = arith.constant 0 : i32
      %dma_start3A_137 = arith.constant 0 : i32
      %dma_start3A_138 = arith.constant 0 : i32
      %dma_start3A_139 = tpu.memref_slice %arg6[%dma_start3A_136, %dma_start3A_137, %dma_start3A_138] : memref<2x128x128xf32, #tpu.memory_space<vmem>> -> memref<1x128x128xf32, #tpu.memory_space<vmem>>
      %dma_start3A_140 = tpu.memref_squeeze %dma_start3A_139 : memref<1x128x128xf32, #tpu.memory_space<vmem>> -> memref<128x128xf32, #tpu.memory_space<vmem>>
      %dma_start3A_141 = arith.constant 0 : i32
      %dma_start3A_142 = tpu.memref_slice %arg4[%add3A_135, %dma_start3A_141] : memref<106496x128xf32, #tpu.memory_space<hbm>> -> memref<128x128xf32, #tpu.memory_space<hbm>>
      %dma_start3A_143 = arith.constant 0 : i32
      %dma_start3A_144 = tpu.memref_slice %arg4[%add3A_135, %dma_start3A_143] : memref<106496x128xf32, #tpu.memory_space<hbm>> -> memref<128x128xf32, #tpu.memory_space<hbm>>
      %dma_start3A_145 = arith.constant 0 : i32
      %dma_start3A_146 = arith.constant 0 : i32
      %dma_start3A_147 = tpu.memref_slice %arg6[%dma_start3A_136, %dma_start3A_145, %dma_start3A_146] : memref<2x128x128xf32, #tpu.memory_space<vmem>> -> memref<1x128x128xf32, #tpu.memory_space<vmem>>
      %dma_start3A_148 = tpu.memref_squeeze %dma_start3A_147 : memref<1x128x128xf32, #tpu.memory_space<vmem>> -> memref<128x128xf32, #tpu.memory_space<vmem>>
      tpu.enqueue_dma source(%dma_start3A_148 : memref<128x128xf32, #tpu.memory_space<vmem>>) target(%dma_start3A_144 : memref<128x128xf32, #tpu.memory_space<hbm>>) target_semaphore(%arg9 : memref<!tpu.dma_semaphore, #tpu.memory_space<semaphore_mem>>)
      %dma_wait3A_149 = arith.constant 1 : i32
      %dma_wait3A_150 = arith.constant 0 : i32
      %dma_wait3A_151 = arith.constant 0 : i32
      %dma_wait3A_152 = tpu.memref_slice %arg6[%dma_wait3A_149, %dma_wait3A_150, %dma_wait3A_151] : memref<2x128x128xf32, #tpu.memory_space<vmem>> -> memref<1x128x128xf32, #tpu.memory_space<vmem>>
      %dma_wait3A_153 = tpu.memref_squeeze %dma_wait3A_152 : memref<1x128x128xf32, #tpu.memory_space<vmem>> -> memref<128x128xf32, #tpu.memory_space<vmem>>
      %dma_wait3A_154 = arith.constant 0 : i32
      %dma_wait3A_155 = arith.constant 0 : i32
      %dma_wait3A_156 = tpu.memref_slice %dma_wait3A_153[%dma_wait3A_154, %dma_wait3A_155] : memref<128x128xf32, #tpu.memory_space<vmem>> -> memref<128x128xf32, #tpu.memory_space<vmem>>
      %dma_wait3A_157 = arith.constant 0 : i32
      %dma_wait3A_158 = tpu.memref_slice %arg5[%add3A_98, %dma_wait3A_157] : memref<32x128xi32, #tpu.memory_space<vmem>> -> memref<1x128xi32, #tpu.memory_space<vmem>>
      %dma_wait3A_159 = tpu.memref_squeeze %dma_wait3A_158 : memref<1x128xi32, #tpu.memory_space<vmem>> -> memref<128xi32, #tpu.memory_space<vmem>>
      %dma_wait3A_160 = arith.constant 0 : i32
      %dma_wait3A_161 = arith.constant 0 : i32
      %dma_wait3A_162 = tpu.memref_slice %arg3[%dma_wait3A_160, %dma_wait3A_161] : memref<1000000x128xf32, #tpu.memory_space<hbm>> -> memref<1000000x128xf32, #tpu.memory_space<hbm>>
      tpu.wait_indirect_dma semaphore(%arg8 : memref<!tpu.dma_semaphore, #tpu.memory_space<semaphore_mem>>) src(%dma_wait3A_162 : memref<1000000x128xf32, #tpu.memory_space<hbm>>) dst(%dma_wait3A_156 : memref<128x128xf32, #tpu.memory_space<vmem>>)
      %mul3A_163 = arith.constant 2 : i32
      %mul3A_164 = arith.muli %mul3A_163, %scan3A_60 : i32
      %add3A_165 = arith.constant 1 : i32
      %add3A_166 = arith.addi %mul3A_164, %add3A_165 : i32
      %mul3A_167 = arith.constant 3328 : i32
      %mul3A_168 = arith.muli %add3A, %mul3A_167 : i32
      %mul3A_169 = arith.constant 128 : i32
      %mul3A_170 = arith.muli %add3A_166, %mul3A_169 : i32
      %add3A_171 = arith.addi %mul3A_168, %mul3A_170 : i32
      %dma_start3A_172 = arith.constant 1 : i32
      %dma_start3A_173 = arith.constant 0 : i32
      %dma_start3A_174 = arith.constant 0 : i32
      %dma_start3A_175 = tpu.memref_slice %arg6[%dma_start3A_172, %dma_start3A_173, %dma_start3A_174] : memref<2x128x128xf32, #tpu.memory_space<vmem>> -> memref<1x128x128xf32, #tpu.memory_space<vmem>>
      %dma_start3A_176 = tpu.memref_squeeze %dma_start3A_175 : memref<1x128x128xf32, #tpu.memory_space<vmem>> -> memref<128x128xf32, #tpu.memory_space<vmem>>
      %dma_start3A_177 = arith.constant 0 : i32
      %dma_start3A_178 = tpu.memref_slice %arg4[%add3A_171, %dma_start3A_177] : memref<106496x128xf32, #tpu.memory_space<hbm>> -> memref<128x128xf32, #tpu.memory_space<hbm>>
      %dma_start3A_179 = arith.constant 0 : i32
      %dma_start3A_180 = tpu.memref_slice %arg4[%add3A_171, %dma_start3A_179] : memref<106496x128xf32, #tpu.memory_space<hbm>> -> memref<128x128xf32, #tpu.memory_space<hbm>>
      %dma_start3A_181 = arith.constant 0 : i32
      %dma_start3A_182 = arith.constant 0 : i32
      %dma_start3A_183 = tpu.memref_slice %arg6[%dma_start3A_172, %dma_start3A_181, %dma_start3A_182] : memref<2x128x128xf32, #tpu.memory_space<vmem>> -> memref<1x128x128xf32, #tpu.memory_space<vmem>>
      %dma_start3A_184 = tpu.memref_squeeze %dma_start3A_183 : memref<1x128x128xf32, #tpu.memory_space<vmem>> -> memref<128x128xf32, #tpu.memory_space<vmem>>
      tpu.enqueue_dma source(%dma_start3A_184 : memref<128x128xf32, #tpu.memory_space<vmem>>) target(%dma_start3A_180 : memref<128x128xf32, #tpu.memory_space<hbm>>) target_semaphore(%arg10 : memref<!tpu.dma_semaphore, #tpu.memory_space<semaphore_mem>>)
    }
    %scan3A_26 = arith.constant 13 : i32
    %mul3A_27 = arith.constant 3328 : i32
    %mul3A_28 = arith.muli %add3A, %mul3A_27 : i32
    %add3A_29 = arith.constant 0 : i32
    %add3A_30 = arith.addi %mul3A_28, %add3A_29 : i32
    %dma_wait3A = arith.constant 0 : i32
    %dma_wait3A_31 = arith.constant 0 : i32
    %dma_wait3A_32 = arith.constant 0 : i32
    %dma_wait3A_33 = tpu.memref_slice %arg6[%dma_wait3A, %dma_wait3A_31, %dma_wait3A_32] : memref<2x128x128xf32, #tpu.memory_space<vmem>> -> memref<1x128x128xf32, #tpu.memory_space<vmem>>
    %dma_wait3A_34 = tpu.memref_squeeze %dma_wait3A_33 : memref<1x128x128xf32, #tpu.memory_space<vmem>> -> memref<128x128xf32, #tpu.memory_space<vmem>>
    %dma_wait3A_35 = arith.constant 0 : i32
    %dma_wait3A_36 = tpu.memref_slice %arg4[%add3A_30, %dma_wait3A_35] : memref<106496x128xf32, #tpu.memory_space<hbm>> -> memref<128x128xf32, #tpu.memory_space<hbm>>
    %dma_wait3A_37 = arith.constant 0 : i32
    %dma_wait3A_38 = tpu.memref_slice %arg4[%add3A_30, %dma_wait3A_37] : memref<106496x128xf32, #tpu.memory_space<hbm>> -> memref<128x128xf32, #tpu.memory_space<hbm>>
    %dma_wait3A_39 = arith.constant 0 : i32
    %dma_wait3A_40 = arith.constant 0 : i32
    %dma_wait3A_41 = tpu.memref_slice %arg6[%dma_wait3A, %dma_wait3A_39, %dma_wait3A_40] : memref<2x128x128xf32, #tpu.memory_space<vmem>> -> memref<1x128x128xf32, #tpu.memory_space<vmem>>
    %dma_wait3A_42 = tpu.memref_squeeze %dma_wait3A_41 : memref<1x128x128xf32, #tpu.memory_space<vmem>> -> memref<128x128xf32, #tpu.memory_space<vmem>>
    tpu.wait_dma2 semaphore(%arg9 : memref<!tpu.dma_semaphore, #tpu.memory_space<semaphore_mem>>) src(%dma_wait3A_42 : memref<128x128xf32, #tpu.memory_space<vmem>>) dst(%dma_wait3A_38 : memref<128x128xf32, #tpu.memory_space<hbm>>)
    %mul3A_43 = arith.constant 3328 : i32
    %mul3A_44 = arith.muli %add3A, %mul3A_43 : i32
    %add3A_45 = arith.constant 0 : i32
    %add3A_46 = arith.addi %mul3A_44, %add3A_45 : i32
    %dma_wait3A_47 = arith.constant 1 : i32
    %dma_wait3A_48 = arith.constant 0 : i32
    %dma_wait3A_49 = arith.constant 0 : i32
    %dma_wait3A_50 = tpu.memref_slice %arg6[%dma_wait3A_47, %dma_wait3A_48, %dma_wait3A_49] : memref<2x128x128xf32, #tpu.memory_space<vmem>> -> memref<1x128x128xf32, #tpu.memory_space<vmem>>
    %dma_wait3A_51 = tpu.memref_squeeze %dma_wait3A_50 : memref<1x128x128xf32, #tpu.memory_space<vmem>> -> memref<128x128xf32, #tpu.memory_space<vmem>>
    %dma_wait3A_52 = arith.constant 0 : i32
    %dma_wait3A_53 = tpu.memref_slice %arg4[%add3A_46, %dma_wait3A_52] : memref<106496x128xf32, #tpu.memory_space<hbm>> -> memref<128x128xf32, #tpu.memory_space<hbm>>
    %dma_wait3A_54 = arith.constant 0 : i32
    %dma_wait3A_55 = tpu.memref_slice %arg4[%add3A_46, %dma_wait3A_54] : memref<106496x128xf32, #tpu.memory_space<hbm>> -> memref<128x128xf32, #tpu.memory_space<hbm>>
    %dma_wait3A_56 = arith.constant 0 : i32
    %dma_wait3A_57 = arith.constant 0 : i32
    %dma_wait3A_58 = tpu.memref_slice %arg6[%dma_wait3A_47, %dma_wait3A_56, %dma_wait3A_57] : memref<2x128x128xf32, #tpu.memory_space<vmem>> -> memref<1x128x128xf32, #tpu.memory_space<vmem>>
    %dma_wait3A_59 = tpu.memref_squeeze %dma_wait3A_58 : memref<1x128x128xf32, #tpu.memory_space<vmem>> -> memref<128x128xf32, #tpu.memory_space<vmem>>
    tpu.wait_dma2 semaphore(%arg10 : memref<!tpu.dma_semaphore, #tpu.memory_space<semaphore_mem>>) src(%dma_wait3A_59 : memref<128x128xf32, #tpu.memory_space<vmem>>) dst(%dma_wait3A_55 : memref<128x128xf32, #tpu.memory_space<hbm>>)
    return
  }
}

#map = affine_map<(d0, d1) -> (0, 0)>
module attributes {stable_mosaic.version = 14 : i64} {
  func.func @k(%arg0: i32, %arg1: i32, %arg2: memref<832x128xi32, #tpu.memory_space<hbm>>, %arg3: memref<1000000x128xf32, #tpu.memory_space<hbm>>, %arg4: memref<106496x128xf32, #tpu.memory_space<hbm>>, %arg5: memref<32x128xi32, #tpu.memory_space<vmem>>, %arg6: memref<2x128x128xf32, #tpu.memory_space<vmem>>, %arg7: memref<!tpu.dma_semaphore, #tpu.memory_space<semaphore_mem>>, %arg8: memref<!tpu.dma_semaphore, #tpu.memory_space<semaphore_mem>>, %arg9: memref<!tpu.dma_semaphore, #tpu.memory_space<semaphore_mem>>, %arg10: memref<!tpu.dma_semaphore, #tpu.memory_space<semaphore_mem>>) attributes {dimension_semantics = [#tpu.dimension_semantics<core_parallel>, #tpu.dimension_semantics<subcore_parallel>], iteration_bounds = array<i64: 2, 16>, scalar_prefetch = 0 : i64, scratch_operands = 6 : i64, tpu.core_type = #tpu.core_type<sc_vector_subcore>, window_params = [{transform_indices = #map}, {transform_indices = #map}, {transform_indices = #map}]} {
    %mul3A = arith.constant 2 : i32
    %mul3A_0 = arith.muli %arg1, %mul3A : i32
    %add3A = arith.addi %mul3A_0, %arg0 : i32
    %mul3A_1 = arith.constant 26 : i32
    %mul3A_2 = arith.muli %add3A, %mul3A_1 : i32
    %jit3A = arith.constant 8 : i32
    %div3A = arith.divsi %mul3A_2, %jit3A : i32
    %sign3A = arith.constant 0 : i32
    %sign3A_3 = arith.cmpi sgt, %mul3A_2, %sign3A : i32
    %sign3A_4 = arith.extui %sign3A_3 : i1 to i32
    %sign3A_5 = arith.constant 0 : i32
    %sign3A_6 = arith.cmpi slt, %mul3A_2, %sign3A_5 : i32
    %sign3A_7 = arith.extui %sign3A_6 : i1 to i32
    %sign3A_8 = arith.subi %sign3A_4, %sign3A_7 : i32
    %sign3A_9 = arith.constant 0 : i32
    %sign3A_10 = arith.cmpi sgt, %jit3A, %sign3A_9 : i32
    %sign3A_11 = arith.extui %sign3A_10 : i1 to i32
    %sign3A_12 = arith.constant 0 : i32
    %sign3A_13 = arith.cmpi slt, %jit3A, %sign3A_12 : i32
    %sign3A_14 = arith.extui %sign3A_13 : i1 to i32
    %sign3A_15 = arith.subi %sign3A_11, %sign3A_14 : i32
    %ne3A = arith.cmpi ne, %sign3A_8, %sign3A_15 : i32
    %rem3A = arith.remsi %mul3A_2, %jit3A : i32
    %ne3A_16 = arith.constant 0 : i32
    %ne3A_17 = arith.cmpi ne, %rem3A, %ne3A_16 : i32
    %and3A = arith.andi %ne3A, %ne3A_17 : i1
    %sub3A = arith.constant 1 : i32
    %sub3A_18 = arith.subi %div3A, %sub3A : i32
    %select_n3A = arith.select %and3A, %sub3A_18, %div3A : i32
    %mul3A_19 = arith.constant 8 : i32
    %mul3A_20 = arith.muli %select_n3A, %mul3A_19 : i32
    %multiple_of3A = tpu.assume_multiple %mul3A_20, 8 : i32
    %sub3A_21 = arith.subi %mul3A_2, %multiple_of3A : i32
    "tpu.region"() ({
      %run_scoped3A = tpu.sem_alloc : memref<!tpu.dma_semaphore, #tpu.memory_space<semaphore_mem>>
      %dma_start3A = arith.constant 0 : i32
      %dma_start3A_60 = tpu.memref_slice %arg2[%multiple_of3A, %dma_start3A] : memref<832x128xi32, #tpu.memory_space<hbm>> -> memref<32x128xi32, #tpu.memory_space<hbm>>
      %dma_start3A_61 = arith.constant 0 : i32
      %dma_start3A_62 = tpu.memref_slice %arg2[%multiple_of3A, %dma_start3A_61] : memref<832x128xi32, #tpu.memory_space<hbm>> -> memref<32x128xi32, #tpu.memory_space<hbm>>
      tpu.enqueue_dma source(%dma_start3A_62 : memref<32x128xi32, #tpu.memory_space<hbm>>) target(%arg5 : memref<32x128xi32, #tpu.memory_space<vmem>>) target_semaphore(%run_scoped3A : memref<!tpu.dma_semaphore, #tpu.memory_space<semaphore_mem>>)
      %dma_wait3A_63 = arith.constant 0 : i32
      %dma_wait3A_64 = tpu.memref_slice %arg2[%multiple_of3A, %dma_wait3A_63] : memref<832x128xi32, #tpu.memory_space<hbm>> -> memref<32x128xi32, #tpu.memory_space<hbm>>
      %dma_wait3A_65 = arith.constant 0 : i32
      %dma_wait3A_66 = tpu.memref_slice %arg2[%multiple_of3A, %dma_wait3A_65] : memref<832x128xi32, #tpu.memory_space<hbm>> -> memref<32x128xi32, #tpu.memory_space<hbm>>
      tpu.wait_dma2 semaphore(%run_scoped3A : memref<!tpu.dma_semaphore, #tpu.memory_space<semaphore_mem>>) src(%dma_wait3A_66 : memref<32x128xi32, #tpu.memory_space<hbm>>) dst(%arg5 : memref<32x128xi32, #tpu.memory_space<vmem>>)
      tpu.yield
    }) : () -> ()
    %scan3A = arith.constant 0 : i32
    %scan3A_22 = arith.constant 0 : i32
    %scan3A_23 = arith.constant 13 : i32
    %scan3A_24 = arith.addi %scan3A_22, %scan3A_23 : i32
    %scan3A_25 = arith.constant 1 : i32
    scf.for %scan3A_60 = %scan3A_22 to %scan3A_24 step %scan3A_25  : i32 {
      %gt3A = arith.constant 0 : i32
      %gt3A_61 = arith.cmpi sgt, %scan3A_60, %gt3A : i32
      %convert_element_type3A = arith.extui %gt3A_61 : i1 to i32
      %cond3A = arith.constant 0 : i32
      %cond3A_62 = arith.cmpi ne, %convert_element_type3A, %cond3A : i32
      scf.if %cond3A_62 {
        %mul3A_185 = arith.constant 3328 : i32
        %mul3A_186 = arith.muli %add3A, %mul3A_185 : i32
        %add3A_187 = arith.constant 0 : i32
        %add3A_188 = arith.addi %mul3A_186, %add3A_187 : i32
        %dma_wait3A_189 = arith.constant 0 : i32
        %dma_wait3A_190 = arith.constant 0 : i32
        %dma_wait3A_191 = arith.constant 0 : i32
        %dma_wait3A_192 = tpu.memref_slice %arg6[%dma_wait3A_189, %dma_wait3A_190, %dma_wait3A_191] : memref<2x128x128xf32, #tpu.memory_space<vmem>> -> memref<1x128x128xf32, #tpu.memory_space<vmem>>
        %dma_wait3A_193 = tpu.memref_squeeze %dma_wait3A_192 : memref<1x128x128xf32, #tpu.memory_space<vmem>> -> memref<128x128xf32, #tpu.memory_space<vmem>>
        %dma_wait3A_194 = arith.constant 0 : i32
        %dma_wait3A_195 = tpu.memref_slice %arg4[%add3A_188, %dma_wait3A_194] : memref<106496x128xf32, #tpu.memory_space<hbm>> -> memref<128x128xf32, #tpu.memory_space<hbm>>
        %dma_wait3A_196 = arith.constant 0 : i32
        %dma_wait3A_197 = tpu.memref_slice %arg4[%add3A_188, %dma_wait3A_196] : memref<106496x128xf32, #tpu.memory_space<hbm>> -> memref<128x128xf32, #tpu.memory_space<hbm>>
        %dma_wait3A_198 = arith.constant 0 : i32
        %dma_wait3A_199 = arith.constant 0 : i32
        %dma_wait3A_200 = tpu.memref_slice %arg6[%dma_wait3A_189, %dma_wait3A_198, %dma_wait3A_199] : memref<2x128x128xf32, #tpu.memory_space<vmem>> -> memref<1x128x128xf32, #tpu.memory_space<vmem>>
        %dma_wait3A_201 = tpu.memref_squeeze %dma_wait3A_200 : memref<1x128x128xf32, #tpu.memory_space<vmem>> -> memref<128x128xf32, #tpu.memory_space<vmem>>
        tpu.wait_dma2 semaphore(%arg9 : memref<!tpu.dma_semaphore, #tpu.memory_space<semaphore_mem>>) src(%dma_wait3A_201 : memref<128x128xf32, #tpu.memory_space<vmem>>) dst(%dma_wait3A_197 : memref<128x128xf32, #tpu.memory_space<hbm>>)
      } else {
      }
      %mul3A_63 = arith.constant 2 : i32
      %mul3A_64 = arith.muli %mul3A_63, %scan3A_60 : i32
      %add3A_65 = arith.constant 0 : i32
      %add3A_66 = arith.addi %mul3A_64, %add3A_65 : i32
      %mul3A_67 = arith.constant 1 : i32
      %mul3A_68 = arith.muli %add3A_66, %mul3A_67 : i32
      %add3A_69 = arith.constant 0 : i32
      %add3A_70 = arith.addi %mul3A_68, %add3A_69 : i32
      %add3A_71 = arith.addi %sub3A_21, %add3A_70 : i32
      %dma_start3A = arith.constant 0 : i32
      %dma_start3A_72 = arith.constant 0 : i32
      %dma_start3A_73 = arith.constant 0 : i32
      %dma_start3A_74 = tpu.memref_slice %arg6[%dma_start3A, %dma_start3A_72, %dma_start3A_73] : memref<2x128x128xf32, #tpu.memory_space<vmem>> -> memref<1x128x128xf32, #tpu.memory_space<vmem>>
      %dma_start3A_75 = tpu.memref_squeeze %dma_start3A_74 : memref<1x128x128xf32, #tpu.memory_space<vmem>> -> memref<128x128xf32, #tpu.memory_space<vmem>>
      %dma_start3A_76 = arith.constant 0 : i32
      %dma_start3A_77 = arith.constant 0 : i32
      %dma_start3A_78 = tpu.memref_slice %dma_start3A_75[%dma_start3A_76, %dma_start3A_77] : memref<128x128xf32, #tpu.memory_space<vmem>> -> memref<128x128xf32, #tpu.memory_space<vmem>>
      %dma_start3A_79 = arith.constant 0 : i32
      %dma_start3A_80 = tpu.memref_slice %arg5[%add3A_71, %dma_start3A_79] : memref<32x128xi32, #tpu.memory_space<vmem>> -> memref<1x128xi32, #tpu.memory_space<vmem>>
      %dma_start3A_81 = tpu.memref_squeeze %dma_start3A_80 : memref<1x128xi32, #tpu.memory_space<vmem>> -> memref<128xi32, #tpu.memory_space<vmem>>
      %dma_start3A_82 = arith.constant 0 : i32
      %dma_start3A_83 = arith.constant 0 : i32
      %dma_start3A_84 = tpu.memref_slice %arg3[%dma_start3A_82, %dma_start3A_83] : memref<1000000x128xf32, #tpu.memory_space<hbm>> -> memref<1000000x128xf32, #tpu.memory_space<hbm>>
      tpu.enqueue_indirect_dma source(%dma_start3A_84 : memref<1000000x128xf32, #tpu.memory_space<hbm>>) target(%dma_start3A_78 : memref<128x128xf32, #tpu.memory_space<vmem>>) offsets(%dma_start3A_81 : memref<128xi32, #tpu.memory_space<vmem>>) semaphore(%arg7 : memref<!tpu.dma_semaphore, #tpu.memory_space<semaphore_mem>>)
      %gt3A_85 = arith.constant 0 : i32
      %gt3A_86 = arith.cmpi sgt, %scan3A_60, %gt3A_85 : i32
      %convert_element_type3A_87 = arith.extui %gt3A_86 : i1 to i32
      %cond3A_88 = arith.constant 0 : i32
      %cond3A_89 = arith.cmpi ne, %convert_element_type3A_87, %cond3A_88 : i32
      scf.if %cond3A_89 {
        %mul3A_185 = arith.constant 3328 : i32
        %mul3A_186 = arith.muli %add3A, %mul3A_185 : i32
        %add3A_187 = arith.constant 0 : i32
        %add3A_188 = arith.addi %mul3A_186, %add3A_187 : i32
        %dma_wait3A_189 = arith.constant 1 : i32
        %dma_wait3A_190 = arith.constant 0 : i32
        %dma_wait3A_191 = arith.constant 0 : i32
        %dma_wait3A_192 = tpu.memref_slice %arg6[%dma_wait3A_189, %dma_wait3A_190, %dma_wait3A_191] : memref<2x128x128xf32, #tpu.memory_space<vmem>> -> memref<1x128x128xf32, #tpu.memory_space<vmem>>
        %dma_wait3A_193 = tpu.memref_squeeze %dma_wait3A_192 : memref<1x128x128xf32, #tpu.memory_space<vmem>> -> memref<128x128xf32, #tpu.memory_space<vmem>>
        %dma_wait3A_194 = arith.constant 0 : i32
        %dma_wait3A_195 = tpu.memref_slice %arg4[%add3A_188, %dma_wait3A_194] : memref<106496x128xf32, #tpu.memory_space<hbm>> -> memref<128x128xf32, #tpu.memory_space<hbm>>
        %dma_wait3A_196 = arith.constant 0 : i32
        %dma_wait3A_197 = tpu.memref_slice %arg4[%add3A_188, %dma_wait3A_196] : memref<106496x128xf32, #tpu.memory_space<hbm>> -> memref<128x128xf32, #tpu.memory_space<hbm>>
        %dma_wait3A_198 = arith.constant 0 : i32
        %dma_wait3A_199 = arith.constant 0 : i32
        %dma_wait3A_200 = tpu.memref_slice %arg6[%dma_wait3A_189, %dma_wait3A_198, %dma_wait3A_199] : memref<2x128x128xf32, #tpu.memory_space<vmem>> -> memref<1x128x128xf32, #tpu.memory_space<vmem>>
        %dma_wait3A_201 = tpu.memref_squeeze %dma_wait3A_200 : memref<1x128x128xf32, #tpu.memory_space<vmem>> -> memref<128x128xf32, #tpu.memory_space<vmem>>
        tpu.wait_dma2 semaphore(%arg10 : memref<!tpu.dma_semaphore, #tpu.memory_space<semaphore_mem>>) src(%dma_wait3A_201 : memref<128x128xf32, #tpu.memory_space<vmem>>) dst(%dma_wait3A_197 : memref<128x128xf32, #tpu.memory_space<hbm>>)
      } else {
      }
      %mul3A_90 = arith.constant 2 : i32
      %mul3A_91 = arith.muli %mul3A_90, %scan3A_60 : i32
      %add3A_92 = arith.constant 1 : i32
      %add3A_93 = arith.addi %mul3A_91, %add3A_92 : i32
      %mul3A_94 = arith.constant 1 : i32
      %mul3A_95 = arith.muli %add3A_93, %mul3A_94 : i32
      %add3A_96 = arith.constant 0 : i32
      %add3A_97 = arith.addi %mul3A_95, %add3A_96 : i32
      %add3A_98 = arith.addi %sub3A_21, %add3A_97 : i32
      %dma_start3A_99 = arith.constant 1 : i32
      %dma_start3A_100 = arith.constant 0 : i32
      %dma_start3A_101 = arith.constant 0 : i32
      %dma_start3A_102 = tpu.memref_slice %arg6[%dma_start3A_99, %dma_start3A_100, %dma_start3A_101] : memref<2x128x128xf32, #tpu.memory_space<vmem>> -> memref<1x128x128xf32, #tpu.memory_space<vmem>>
      %dma_start3A_103 = tpu.memref_squeeze %dma_start3A_102 : memref<1x128x128xf32, #tpu.memory_space<vmem>> -> memref<128x128xf32, #tpu.memory_space<vmem>>
      %dma_start3A_104 = arith.constant 0 : i32
      %dma_start3A_105 = arith.constant 0 : i32
      %dma_start3A_106 = tpu.memref_slice %dma_start3A_103[%dma_start3A_104, %dma_start3A_105] : memref<128x128xf32, #tpu.memory_space<vmem>> -> memref<128x128xf32, #tpu.memory_space<vmem>>
      %dma_start3A_107 = arith.constant 0 : i32
      %dma_start3A_108 = tpu.memref_slice %arg5[%add3A_98, %dma_start3A_107] : memref<32x128xi32, #tpu.memory_space<vmem>> -> memref<1x128xi32, #tpu.memory_space<vmem>>
      %dma_start3A_109 = tpu.memref_squeeze %dma_start3A_108 : memref<1x128xi32, #tpu.memory_space<vmem>> -> memref<128xi32, #tpu.memory_space<vmem>>
      %dma_start3A_110 = arith.constant 0 : i32
      %dma_start3A_111 = arith.constant 0 : i32
      %dma_start3A_112 = tpu.memref_slice %arg3[%dma_start3A_110, %dma_start3A_111] : memref<1000000x128xf32, #tpu.memory_space<hbm>> -> memref<1000000x128xf32, #tpu.memory_space<hbm>>
      tpu.enqueue_indirect_dma source(%dma_start3A_112 : memref<1000000x128xf32, #tpu.memory_space<hbm>>) target(%dma_start3A_106 : memref<128x128xf32, #tpu.memory_space<vmem>>) offsets(%dma_start3A_109 : memref<128xi32, #tpu.memory_space<vmem>>) semaphore(%arg8 : memref<!tpu.dma_semaphore, #tpu.memory_space<semaphore_mem>>)
      %dma_wait3A_113 = arith.constant 0 : i32
      %dma_wait3A_114 = arith.constant 0 : i32
      %dma_wait3A_115 = arith.constant 0 : i32
      %dma_wait3A_116 = tpu.memref_slice %arg6[%dma_wait3A_113, %dma_wait3A_114, %dma_wait3A_115] : memref<2x128x128xf32, #tpu.memory_space<vmem>> -> memref<1x128x128xf32, #tpu.memory_space<vmem>>
      %dma_wait3A_117 = tpu.memref_squeeze %dma_wait3A_116 : memref<1x128x128xf32, #tpu.memory_space<vmem>> -> memref<128x128xf32, #tpu.memory_space<vmem>>
      %dma_wait3A_118 = arith.constant 0 : i32
      %dma_wait3A_119 = arith.constant 0 : i32
      %dma_wait3A_120 = tpu.memref_slice %dma_wait3A_117[%dma_wait3A_118, %dma_wait3A_119] : memref<128x128xf32, #tpu.memory_space<vmem>> -> memref<128x128xf32, #tpu.memory_space<vmem>>
      %dma_wait3A_121 = arith.constant 0 : i32
      %dma_wait3A_122 = tpu.memref_slice %arg5[%add3A_71, %dma_wait3A_121] : memref<32x128xi32, #tpu.memory_space<vmem>> -> memref<1x128xi32, #tpu.memory_space<vmem>>
      %dma_wait3A_123 = tpu.memref_squeeze %dma_wait3A_122 : memref<1x128xi32, #tpu.memory_space<vmem>> -> memref<128xi32, #tpu.memory_space<vmem>>
      %dma_wait3A_124 = arith.constant 0 : i32
      %dma_wait3A_125 = arith.constant 0 : i32
      %dma_wait3A_126 = tpu.memref_slice %arg3[%dma_wait3A_124, %dma_wait3A_125] : memref<1000000x128xf32, #tpu.memory_space<hbm>> -> memref<1000000x128xf32, #tpu.memory_space<hbm>>
      tpu.wait_indirect_dma semaphore(%arg7 : memref<!tpu.dma_semaphore, #tpu.memory_space<semaphore_mem>>) src(%dma_wait3A_126 : memref<1000000x128xf32, #tpu.memory_space<hbm>>) dst(%dma_wait3A_120 : memref<128x128xf32, #tpu.memory_space<vmem>>)
      %mul3A_127 = arith.constant 2 : i32
      %mul3A_128 = arith.muli %mul3A_127, %scan3A_60 : i32
      %add3A_129 = arith.constant 0 : i32
      %add3A_130 = arith.addi %mul3A_128, %add3A_129 : i32
      %mul3A_131 = arith.constant 3328 : i32
      %mul3A_132 = arith.muli %add3A, %mul3A_131 : i32
      %mul3A_133 = arith.constant 128 : i32
      %mul3A_134 = arith.muli %add3A_130, %mul3A_133 : i32
      %add3A_135 = arith.addi %mul3A_132, %mul3A_134 : i32
      %dma_start3A_136 = arith.constant 0 : i32
      %dma_start3A_137 = arith.constant 0 : i32
      %dma_start3A_138 = arith.constant 0 : i32
      %dma_start3A_139 = tpu.memref_slice %arg6[%dma_start3A_136, %dma_start3A_137, %dma_start3A_138] : memref<2x128x128xf32, #tpu.memory_space<vmem>> -> memref<1x128x128xf32, #tpu.memory_space<vmem>>
      %dma_start3A_140 = tpu.memref_squeeze %dma_start3A_139 : memref<1x128x128xf32, #tpu.memory_space<vmem>> -> memref<128x128xf32, #tpu.memory_space<vmem>>
      %dma_start3A_141 = arith.constant 0 : i32
      %dma_start3A_142 = tpu.memref_slice %arg4[%add3A_135, %dma_start3A_141] : memref<106496x128xf32, #tpu.memory_space<hbm>> -> memref<128x128xf32, #tpu.memory_space<hbm>>
      %dma_start3A_143 = arith.constant 0 : i32
      %dma_start3A_144 = tpu.memref_slice %arg4[%add3A_135, %dma_start3A_143] : memref<106496x128xf32, #tpu.memory_space<hbm>> -> memref<128x128xf32, #tpu.memory_space<hbm>>
      %dma_start3A_145 = arith.constant 0 : i32
      %dma_start3A_146 = arith.constant 0 : i32
      %dma_start3A_147 = tpu.memref_slice %arg6[%dma_start3A_136, %dma_start3A_145, %dma_start3A_146] : memref<2x128x128xf32, #tpu.memory_space<vmem>> -> memref<1x128x128xf32, #tpu.memory_space<vmem>>
      %dma_start3A_148 = tpu.memref_squeeze %dma_start3A_147 : memref<1x128x128xf32, #tpu.memory_space<vmem>> -> memref<128x128xf32, #tpu.memory_space<vmem>>
      tpu.enqueue_dma source(%dma_start3A_148 : memref<128x128xf32, #tpu.memory_space<vmem>>) target(%dma_start3A_144 : memref<128x128xf32, #tpu.memory_space<hbm>>) target_semaphore(%arg9 : memref<!tpu.dma_semaphore, #tpu.memory_space<semaphore_mem>>)
      %dma_wait3A_149 = arith.constant 1 : i32
      %dma_wait3A_150 = arith.constant 0 : i32
      %dma_wait3A_151 = arith.constant 0 : i32
      %dma_wait3A_152 = tpu.memref_slice %arg6[%dma_wait3A_149, %dma_wait3A_150, %dma_wait3A_151] : memref<2x128x128xf32, #tpu.memory_space<vmem>> -> memref<1x128x128xf32, #tpu.memory_space<vmem>>
      %dma_wait3A_153 = tpu.memref_squeeze %dma_wait3A_152 : memref<1x128x128xf32, #tpu.memory_space<vmem>> -> memref<128x128xf32, #tpu.memory_space<vmem>>
      %dma_wait3A_154 = arith.constant 0 : i32
      %dma_wait3A_155 = arith.constant 0 : i32
      %dma_wait3A_156 = tpu.memref_slice %dma_wait3A_153[%dma_wait3A_154, %dma_wait3A_155] : memref<128x128xf32, #tpu.memory_space<vmem>> -> memref<128x128xf32, #tpu.memory_space<vmem>>
      %dma_wait3A_157 = arith.constant 0 : i32
      %dma_wait3A_158 = tpu.memref_slice %arg5[%add3A_98, %dma_wait3A_157] : memref<32x128xi32, #tpu.memory_space<vmem>> -> memref<1x128xi32, #tpu.memory_space<vmem>>
      %dma_wait3A_159 = tpu.memref_squeeze %dma_wait3A_158 : memref<1x128xi32, #tpu.memory_space<vmem>> -> memref<128xi32, #tpu.memory_space<vmem>>
      %dma_wait3A_160 = arith.constant 0 : i32
      %dma_wait3A_161 = arith.constant 0 : i32
      %dma_wait3A_162 = tpu.memref_slice %arg3[%dma_wait3A_160, %dma_wait3A_161] : memref<1000000x128xf32, #tpu.memory_space<hbm>> -> memref<1000000x128xf32, #tpu.memory_space<hbm>>
      tpu.wait_indirect_dma semaphore(%arg8 : memref<!tpu.dma_semaphore, #tpu.memory_space<semaphore_mem>>) src(%dma_wait3A_162 : memref<1000000x128xf32, #tpu.memory_space<hbm>>) dst(%dma_wait3A_156 : memref<128x128xf32, #tpu.memory_space<vmem>>)
      %mul3A_163 = arith.constant 2 : i32
      %mul3A_164 = arith.muli %mul3A_163, %scan3A_60 : i32
      %add3A_165 = arith.constant 1 : i32
      %add3A_166 = arith.addi %mul3A_164, %add3A_165 : i32
      %mul3A_167 = arith.constant 3328 : i32
      %mul3A_168 = arith.muli %add3A, %mul3A_167 : i32
      %mul3A_169 = arith.constant 128 : i32
      %mul3A_170 = arith.muli %add3A_166, %mul3A_169 : i32
      %add3A_171 = arith.addi %mul3A_168, %mul3A_170 : i32
      %dma_start3A_172 = arith.constant 1 : i32
      %dma_start3A_173 = arith.constant 0 : i32
      %dma_start3A_174 = arith.constant 0 : i32
      %dma_start3A_175 = tpu.memref_slice %arg6[%dma_start3A_172, %dma_start3A_173, %dma_start3A_174] : memref<2x128x128xf32, #tpu.memory_space<vmem>> -> memref<1x128x128xf32, #tpu.memory_space<vmem>>
      %dma_start3A_176 = tpu.memref_squeeze %dma_start3A_175 : memref<1x128x128xf32, #tpu.memory_space<vmem>> -> memref<128x128xf32, #tpu.memory_space<vmem>>
      %dma_start3A_177 = arith.constant 0 : i32
      %dma_start3A_178 = tpu.memref_slice %arg4[%add3A_171, %dma_start3A_177] : memref<106496x128xf32, #tpu.memory_space<hbm>> -> memref<128x128xf32, #tpu.memory_space<hbm>>
      %dma_start3A_179 = arith.constant 0 : i32
      %dma_start3A_180 = tpu.memref_slice %arg4[%add3A_171, %dma_start3A_179] : memref<106496x128xf32, #tpu.memory_space<hbm>> -> memref<128x128xf32, #tpu.memory_space<hbm>>
      %dma_start3A_181 = arith.constant 0 : i32
      %dma_start3A_182 = arith.constant 0 : i32
      %dma_start3A_183 = tpu.memref_slice %arg6[%dma_start3A_172, %dma_start3A_181, %dma_start3A_182] : memref<2x128x128xf32, #tpu.memory_space<vmem>> -> memref<1x128x128xf32, #tpu.memory_space<vmem>>
      %dma_start3A_184 = tpu.memref_squeeze %dma_start3A_183 : memref<1x128x128xf32, #tpu.memory_space<vmem>> -> memref<128x128xf32, #tpu.memory_space<vmem>>
      tpu.enqueue_dma source(%dma_start3A_184 : memref<128x128xf32, #tpu.memory_space<vmem>>) target(%dma_start3A_180 : memref<128x128xf32, #tpu.memory_space<hbm>>) target_semaphore(%arg10 : memref<!tpu.dma_semaphore, #tpu.memory_space<semaphore_mem>>)
    }
    %scan3A_26 = arith.constant 13 : i32
    %mul3A_27 = arith.constant 3328 : i32
    %mul3A_28 = arith.muli %add3A, %mul3A_27 : i32
    %add3A_29 = arith.constant 0 : i32
    %add3A_30 = arith.addi %mul3A_28, %add3A_29 : i32
    %dma_wait3A = arith.constant 0 : i32
    %dma_wait3A_31 = arith.constant 0 : i32
    %dma_wait3A_32 = arith.constant 0 : i32
    %dma_wait3A_33 = tpu.memref_slice %arg6[%dma_wait3A, %dma_wait3A_31, %dma_wait3A_32] : memref<2x128x128xf32, #tpu.memory_space<vmem>> -> memref<1x128x128xf32, #tpu.memory_space<vmem>>
    %dma_wait3A_34 = tpu.memref_squeeze %dma_wait3A_33 : memref<1x128x128xf32, #tpu.memory_space<vmem>> -> memref<128x128xf32, #tpu.memory_space<vmem>>
    %dma_wait3A_35 = arith.constant 0 : i32
    %dma_wait3A_36 = tpu.memref_slice %arg4[%add3A_30, %dma_wait3A_35] : memref<106496x128xf32, #tpu.memory_space<hbm>> -> memref<128x128xf32, #tpu.memory_space<hbm>>
    %dma_wait3A_37 = arith.constant 0 : i32
    %dma_wait3A_38 = tpu.memref_slice %arg4[%add3A_30, %dma_wait3A_37] : memref<106496x128xf32, #tpu.memory_space<hbm>> -> memref<128x128xf32, #tpu.memory_space<hbm>>
    %dma_wait3A_39 = arith.constant 0 : i32
    %dma_wait3A_40 = arith.constant 0 : i32
    %dma_wait3A_41 = tpu.memref_slice %arg6[%dma_wait3A, %dma_wait3A_39, %dma_wait3A_40] : memref<2x128x128xf32, #tpu.memory_space<vmem>> -> memref<1x128x128xf32, #tpu.memory_space<vmem>>
    %dma_wait3A_42 = tpu.memref_squeeze %dma_wait3A_41 : memref<1x128x128xf32, #tpu.memory_space<vmem>> -> memref<128x128xf32, #tpu.memory_space<vmem>>
    tpu.wait_dma2 semaphore(%arg9 : memref<!tpu.dma_semaphore, #tpu.memory_space<semaphore_mem>>) src(%dma_wait3A_42 : memref<128x128xf32, #tpu.memory_space<vmem>>) dst(%dma_wait3A_38 : memref<128x128xf32, #tpu.memory_space<hbm>>)
    %mul3A_43 = arith.constant 3328 : i32
    %mul3A_44 = arith.muli %add3A, %mul3A_43 : i32
    %add3A_45 = arith.constant 0 : i32
    %add3A_46 = arith.addi %mul3A_44, %add3A_45 : i32
    %dma_wait3A_47 = arith.constant 1 : i32
    %dma_wait3A_48 = arith.constant 0 : i32
    %dma_wait3A_49 = arith.constant 0 : i32
    %dma_wait3A_50 = tpu.memref_slice %arg6[%dma_wait3A_47, %dma_wait3A_48, %dma_wait3A_49] : memref<2x128x128xf32, #tpu.memory_space<vmem>> -> memref<1x128x128xf32, #tpu.memory_space<vmem>>
    %dma_wait3A_51 = tpu.memref_squeeze %dma_wait3A_50 : memref<1x128x128xf32, #tpu.memory_space<vmem>> -> memref<128x128xf32, #tpu.memory_space<vmem>>
    %dma_wait3A_52 = arith.constant 0 : i32
    %dma_wait3A_53 = tpu.memref_slice %arg4[%add3A_46, %dma_wait3A_52] : memref<106496x128xf32, #tpu.memory_space<hbm>> -> memref<128x128xf32, #tpu.memory_space<hbm>>
    %dma_wait3A_54 = arith.constant 0 : i32
    %dma_wait3A_55 = tpu.memref_slice %arg4[%add3A_46, %dma_wait3A_54] : memref<106496x128xf32, #tpu.memory_space<hbm>> -> memref<128x128xf32, #tpu.memory_space<hbm>>
    %dma_wait3A_56 = arith.constant 0 : i32
    %dma_wait3A_57 = arith.constant 0 : i32
    %dma_wait3A_58 = tpu.memref_slice %arg6[%dma_wait3A_47, %dma_wait3A_56, %dma_wait3A_57] : memref<2x128x128xf32, #tpu.memory_space<vmem>> -> memref<1x128x128xf32, #tpu.memory_space<vmem>>
    %dma_wait3A_59 = tpu.memref_squeeze %dma_wait3A_58 : memref<1x128x128xf32, #tpu.memory_space<vmem>> -> memref<128x128xf32, #tpu.memory_space<vmem>>
    tpu.wait_dma2 semaphore(%arg10 : memref<!tpu.dma_semaphore, #tpu.memory_space<semaphore_mem>>) src(%dma_wait3A_59 : memref<128x128xf32, #tpu.memory_space<vmem>>) dst(%dma_wait3A_55 : memref<128x128xf32, #tpu.memory_space<hbm>>)
    return
  }
}

#map = affine_map<(d0, d1) -> (0, 0)>
module attributes {stable_mosaic.version = 14 : i64} {
  func.func @k(%arg0: i32, %arg1: i32, %arg2: memref<832x128xi32, #tpu.memory_space<hbm>>, %arg3: memref<1000000x128xf32, #tpu.memory_space<hbm>>, %arg4: memref<106496x128xf32, #tpu.memory_space<hbm>>, %arg5: memref<32x128xi32, #tpu.memory_space<vmem>>, %arg6: memref<2x128x128xf32, #tpu.memory_space<vmem>>, %arg7: memref<!tpu.dma_semaphore, #tpu.memory_space<semaphore_mem>>, %arg8: memref<!tpu.dma_semaphore, #tpu.memory_space<semaphore_mem>>, %arg9: memref<!tpu.dma_semaphore, #tpu.memory_space<semaphore_mem>>, %arg10: memref<!tpu.dma_semaphore, #tpu.memory_space<semaphore_mem>>) attributes {dimension_semantics = [#tpu.dimension_semantics<core_parallel>, #tpu.dimension_semantics<subcore_parallel>], iteration_bounds = array<i64: 2, 16>, scalar_prefetch = 0 : i64, scratch_operands = 6 : i64, tpu.core_type = #tpu.core_type<sc_vector_subcore>, window_params = [{transform_indices = #map}, {transform_indices = #map}, {transform_indices = #map}]} {
    %mul3A = arith.constant 2 : i32
    %mul3A_0 = arith.muli %arg1, %mul3A : i32
    %add3A = arith.addi %mul3A_0, %arg0 : i32
    %mul3A_1 = arith.constant 26 : i32
    %mul3A_2 = arith.muli %add3A, %mul3A_1 : i32
    %jit3A = arith.constant 8 : i32
    %div3A = arith.divsi %mul3A_2, %jit3A : i32
    %sign3A = arith.constant 0 : i32
    %sign3A_3 = arith.cmpi sgt, %mul3A_2, %sign3A : i32
    %sign3A_4 = arith.extui %sign3A_3 : i1 to i32
    %sign3A_5 = arith.constant 0 : i32
    %sign3A_6 = arith.cmpi slt, %mul3A_2, %sign3A_5 : i32
    %sign3A_7 = arith.extui %sign3A_6 : i1 to i32
    %sign3A_8 = arith.subi %sign3A_4, %sign3A_7 : i32
    %sign3A_9 = arith.constant 0 : i32
    %sign3A_10 = arith.cmpi sgt, %jit3A, %sign3A_9 : i32
    %sign3A_11 = arith.extui %sign3A_10 : i1 to i32
    %sign3A_12 = arith.constant 0 : i32
    %sign3A_13 = arith.cmpi slt, %jit3A, %sign3A_12 : i32
    %sign3A_14 = arith.extui %sign3A_13 : i1 to i32
    %sign3A_15 = arith.subi %sign3A_11, %sign3A_14 : i32
    %ne3A = arith.cmpi ne, %sign3A_8, %sign3A_15 : i32
    %rem3A = arith.remsi %mul3A_2, %jit3A : i32
    %ne3A_16 = arith.constant 0 : i32
    %ne3A_17 = arith.cmpi ne, %rem3A, %ne3A_16 : i32
    %and3A = arith.andi %ne3A, %ne3A_17 : i1
    %sub3A = arith.constant 1 : i32
    %sub3A_18 = arith.subi %div3A, %sub3A : i32
    %select_n3A = arith.select %and3A, %sub3A_18, %div3A : i32
    %mul3A_19 = arith.constant 8 : i32
    %mul3A_20 = arith.muli %select_n3A, %mul3A_19 : i32
    %multiple_of3A = tpu.assume_multiple %mul3A_20, 8 : i32
    %sub3A_21 = arith.subi %mul3A_2, %multiple_of3A : i32
    "tpu.region"() ({
      %run_scoped3A = tpu.sem_alloc : memref<!tpu.dma_semaphore, #tpu.memory_space<semaphore_mem>>
      %dma_start3A = arith.constant 0 : i32
      %dma_start3A_60 = tpu.memref_slice %arg2[%multiple_of3A, %dma_start3A] : memref<832x128xi32, #tpu.memory_space<hbm>> -> memref<32x128xi32, #tpu.memory_space<hbm>>
      %dma_start3A_61 = arith.constant 0 : i32
      %dma_start3A_62 = tpu.memref_slice %arg2[%multiple_of3A, %dma_start3A_61] : memref<832x128xi32, #tpu.memory_space<hbm>> -> memref<32x128xi32, #tpu.memory_space<hbm>>
      tpu.enqueue_dma source(%dma_start3A_62 : memref<32x128xi32, #tpu.memory_space<hbm>>) target(%arg5 : memref<32x128xi32, #tpu.memory_space<vmem>>) target_semaphore(%run_scoped3A : memref<!tpu.dma_semaphore, #tpu.memory_space<semaphore_mem>>)
      %dma_wait3A_63 = arith.constant 0 : i32
      %dma_wait3A_64 = tpu.memref_slice %arg2[%multiple_of3A, %dma_wait3A_63] : memref<832x128xi32, #tpu.memory_space<hbm>> -> memref<32x128xi32, #tpu.memory_space<hbm>>
      %dma_wait3A_65 = arith.constant 0 : i32
      %dma_wait3A_66 = tpu.memref_slice %arg2[%multiple_of3A, %dma_wait3A_65] : memref<832x128xi32, #tpu.memory_space<hbm>> -> memref<32x128xi32, #tpu.memory_space<hbm>>
      tpu.wait_dma2 semaphore(%run_scoped3A : memref<!tpu.dma_semaphore, #tpu.memory_space<semaphore_mem>>) src(%dma_wait3A_66 : memref<32x128xi32, #tpu.memory_space<hbm>>) dst(%arg5 : memref<32x128xi32, #tpu.memory_space<vmem>>)
      tpu.yield
    }) : () -> ()
    %scan3A = arith.constant 0 : i32
    %scan3A_22 = arith.constant 0 : i32
    %scan3A_23 = arith.constant 13 : i32
    %scan3A_24 = arith.addi %scan3A_22, %scan3A_23 : i32
    %scan3A_25 = arith.constant 1 : i32
    scf.for %scan3A_60 = %scan3A_22 to %scan3A_24 step %scan3A_25  : i32 {
      %gt3A = arith.constant 0 : i32
      %gt3A_61 = arith.cmpi sgt, %scan3A_60, %gt3A : i32
      %convert_element_type3A = arith.extui %gt3A_61 : i1 to i32
      %cond3A = arith.constant 0 : i32
      %cond3A_62 = arith.cmpi ne, %convert_element_type3A, %cond3A : i32
      scf.if %cond3A_62 {
        %mul3A_185 = arith.constant 3328 : i32
        %mul3A_186 = arith.muli %add3A, %mul3A_185 : i32
        %add3A_187 = arith.constant 0 : i32
        %add3A_188 = arith.addi %mul3A_186, %add3A_187 : i32
        %dma_wait3A_189 = arith.constant 0 : i32
        %dma_wait3A_190 = arith.constant 0 : i32
        %dma_wait3A_191 = arith.constant 0 : i32
        %dma_wait3A_192 = tpu.memref_slice %arg6[%dma_wait3A_189, %dma_wait3A_190, %dma_wait3A_191] : memref<2x128x128xf32, #tpu.memory_space<vmem>> -> memref<1x128x128xf32, #tpu.memory_space<vmem>>
        %dma_wait3A_193 = tpu.memref_squeeze %dma_wait3A_192 : memref<1x128x128xf32, #tpu.memory_space<vmem>> -> memref<128x128xf32, #tpu.memory_space<vmem>>
        %dma_wait3A_194 = arith.constant 0 : i32
        %dma_wait3A_195 = tpu.memref_slice %arg4[%add3A_188, %dma_wait3A_194] : memref<106496x128xf32, #tpu.memory_space<hbm>> -> memref<128x128xf32, #tpu.memory_space<hbm>>
        %dma_wait3A_196 = arith.constant 0 : i32
        %dma_wait3A_197 = tpu.memref_slice %arg4[%add3A_188, %dma_wait3A_196] : memref<106496x128xf32, #tpu.memory_space<hbm>> -> memref<128x128xf32, #tpu.memory_space<hbm>>
        %dma_wait3A_198 = arith.constant 0 : i32
        %dma_wait3A_199 = arith.constant 0 : i32
        %dma_wait3A_200 = tpu.memref_slice %arg6[%dma_wait3A_189, %dma_wait3A_198, %dma_wait3A_199] : memref<2x128x128xf32, #tpu.memory_space<vmem>> -> memref<1x128x128xf32, #tpu.memory_space<vmem>>
        %dma_wait3A_201 = tpu.memref_squeeze %dma_wait3A_200 : memref<1x128x128xf32, #tpu.memory_space<vmem>> -> memref<128x128xf32, #tpu.memory_space<vmem>>
        tpu.wait_dma2 semaphore(%arg9 : memref<!tpu.dma_semaphore, #tpu.memory_space<semaphore_mem>>) src(%dma_wait3A_201 : memref<128x128xf32, #tpu.memory_space<vmem>>) dst(%dma_wait3A_197 : memref<128x128xf32, #tpu.memory_space<hbm>>)
      } else {
      }
      %mul3A_63 = arith.constant 2 : i32
      %mul3A_64 = arith.muli %mul3A_63, %scan3A_60 : i32
      %add3A_65 = arith.constant 0 : i32
      %add3A_66 = arith.addi %mul3A_64, %add3A_65 : i32
      %mul3A_67 = arith.constant 1 : i32
      %mul3A_68 = arith.muli %add3A_66, %mul3A_67 : i32
      %add3A_69 = arith.constant 0 : i32
      %add3A_70 = arith.addi %mul3A_68, %add3A_69 : i32
      %add3A_71 = arith.addi %sub3A_21, %add3A_70 : i32
      %dma_start3A = arith.constant 0 : i32
      %dma_start3A_72 = arith.constant 0 : i32
      %dma_start3A_73 = arith.constant 0 : i32
      %dma_start3A_74 = tpu.memref_slice %arg6[%dma_start3A, %dma_start3A_72, %dma_start3A_73] : memref<2x128x128xf32, #tpu.memory_space<vmem>> -> memref<1x128x128xf32, #tpu.memory_space<vmem>>
      %dma_start3A_75 = tpu.memref_squeeze %dma_start3A_74 : memref<1x128x128xf32, #tpu.memory_space<vmem>> -> memref<128x128xf32, #tpu.memory_space<vmem>>
      %dma_start3A_76 = arith.constant 0 : i32
      %dma_start3A_77 = arith.constant 0 : i32
      %dma_start3A_78 = tpu.memref_slice %dma_start3A_75[%dma_start3A_76, %dma_start3A_77] : memref<128x128xf32, #tpu.memory_space<vmem>> -> memref<128x128xf32, #tpu.memory_space<vmem>>
      %dma_start3A_79 = arith.constant 0 : i32
      %dma_start3A_80 = tpu.memref_slice %arg5[%add3A_71, %dma_start3A_79] : memref<32x128xi32, #tpu.memory_space<vmem>> -> memref<1x128xi32, #tpu.memory_space<vmem>>
      %dma_start3A_81 = tpu.memref_squeeze %dma_start3A_80 : memref<1x128xi32, #tpu.memory_space<vmem>> -> memref<128xi32, #tpu.memory_space<vmem>>
      %dma_start3A_82 = arith.constant 0 : i32
      %dma_start3A_83 = arith.constant 0 : i32
      %dma_start3A_84 = tpu.memref_slice %arg3[%dma_start3A_82, %dma_start3A_83] : memref<1000000x128xf32, #tpu.memory_space<hbm>> -> memref<1000000x128xf32, #tpu.memory_space<hbm>>
      tpu.enqueue_indirect_dma source(%dma_start3A_84 : memref<1000000x128xf32, #tpu.memory_space<hbm>>) target(%dma_start3A_78 : memref<128x128xf32, #tpu.memory_space<vmem>>) offsets(%dma_start3A_81 : memref<128xi32, #tpu.memory_space<vmem>>) semaphore(%arg7 : memref<!tpu.dma_semaphore, #tpu.memory_space<semaphore_mem>>)
      %gt3A_85 = arith.constant 0 : i32
      %gt3A_86 = arith.cmpi sgt, %scan3A_60, %gt3A_85 : i32
      %convert_element_type3A_87 = arith.extui %gt3A_86 : i1 to i32
      %cond3A_88 = arith.constant 0 : i32
      %cond3A_89 = arith.cmpi ne, %convert_element_type3A_87, %cond3A_88 : i32
      scf.if %cond3A_89 {
        %mul3A_185 = arith.constant 3328 : i32
        %mul3A_186 = arith.muli %add3A, %mul3A_185 : i32
        %add3A_187 = arith.constant 0 : i32
        %add3A_188 = arith.addi %mul3A_186, %add3A_187 : i32
        %dma_wait3A_189 = arith.constant 1 : i32
        %dma_wait3A_190 = arith.constant 0 : i32
        %dma_wait3A_191 = arith.constant 0 : i32
        %dma_wait3A_192 = tpu.memref_slice %arg6[%dma_wait3A_189, %dma_wait3A_190, %dma_wait3A_191] : memref<2x128x128xf32, #tpu.memory_space<vmem>> -> memref<1x128x128xf32, #tpu.memory_space<vmem>>
        %dma_wait3A_193 = tpu.memref_squeeze %dma_wait3A_192 : memref<1x128x128xf32, #tpu.memory_space<vmem>> -> memref<128x128xf32, #tpu.memory_space<vmem>>
        %dma_wait3A_194 = arith.constant 0 : i32
        %dma_wait3A_195 = tpu.memref_slice %arg4[%add3A_188, %dma_wait3A_194] : memref<106496x128xf32, #tpu.memory_space<hbm>> -> memref<128x128xf32, #tpu.memory_space<hbm>>
        %dma_wait3A_196 = arith.constant 0 : i32
        %dma_wait3A_197 = tpu.memref_slice %arg4[%add3A_188, %dma_wait3A_196] : memref<106496x128xf32, #tpu.memory_space<hbm>> -> memref<128x128xf32, #tpu.memory_space<hbm>>
        %dma_wait3A_198 = arith.constant 0 : i32
        %dma_wait3A_199 = arith.constant 0 : i32
        %dma_wait3A_200 = tpu.memref_slice %arg6[%dma_wait3A_189, %dma_wait3A_198, %dma_wait3A_199] : memref<2x128x128xf32, #tpu.memory_space<vmem>> -> memref<1x128x128xf32, #tpu.memory_space<vmem>>
        %dma_wait3A_201 = tpu.memref_squeeze %dma_wait3A_200 : memref<1x128x128xf32, #tpu.memory_space<vmem>> -> memref<128x128xf32, #tpu.memory_space<vmem>>
        tpu.wait_dma2 semaphore(%arg10 : memref<!tpu.dma_semaphore, #tpu.memory_space<semaphore_mem>>) src(%dma_wait3A_201 : memref<128x128xf32, #tpu.memory_space<vmem>>) dst(%dma_wait3A_197 : memref<128x128xf32, #tpu.memory_space<hbm>>)
      } else {
      }
      %mul3A_90 = arith.constant 2 : i32
      %mul3A_91 = arith.muli %mul3A_90, %scan3A_60 : i32
      %add3A_92 = arith.constant 1 : i32
      %add3A_93 = arith.addi %mul3A_91, %add3A_92 : i32
      %mul3A_94 = arith.constant 1 : i32
      %mul3A_95 = arith.muli %add3A_93, %mul3A_94 : i32
      %add3A_96 = arith.constant 0 : i32
      %add3A_97 = arith.addi %mul3A_95, %add3A_96 : i32
      %add3A_98 = arith.addi %sub3A_21, %add3A_97 : i32
      %dma_start3A_99 = arith.constant 1 : i32
      %dma_start3A_100 = arith.constant 0 : i32
      %dma_start3A_101 = arith.constant 0 : i32
      %dma_start3A_102 = tpu.memref_slice %arg6[%dma_start3A_99, %dma_start3A_100, %dma_start3A_101] : memref<2x128x128xf32, #tpu.memory_space<vmem>> -> memref<1x128x128xf32, #tpu.memory_space<vmem>>
      %dma_start3A_103 = tpu.memref_squeeze %dma_start3A_102 : memref<1x128x128xf32, #tpu.memory_space<vmem>> -> memref<128x128xf32, #tpu.memory_space<vmem>>
      %dma_start3A_104 = arith.constant 0 : i32
      %dma_start3A_105 = arith.constant 0 : i32
      %dma_start3A_106 = tpu.memref_slice %dma_start3A_103[%dma_start3A_104, %dma_start3A_105] : memref<128x128xf32, #tpu.memory_space<vmem>> -> memref<128x128xf32, #tpu.memory_space<vmem>>
      %dma_start3A_107 = arith.constant 0 : i32
      %dma_start3A_108 = tpu.memref_slice %arg5[%add3A_98, %dma_start3A_107] : memref<32x128xi32, #tpu.memory_space<vmem>> -> memref<1x128xi32, #tpu.memory_space<vmem>>
      %dma_start3A_109 = tpu.memref_squeeze %dma_start3A_108 : memref<1x128xi32, #tpu.memory_space<vmem>> -> memref<128xi32, #tpu.memory_space<vmem>>
      %dma_start3A_110 = arith.constant 0 : i32
      %dma_start3A_111 = arith.constant 0 : i32
      %dma_start3A_112 = tpu.memref_slice %arg3[%dma_start3A_110, %dma_start3A_111] : memref<1000000x128xf32, #tpu.memory_space<hbm>> -> memref<1000000x128xf32, #tpu.memory_space<hbm>>
      tpu.enqueue_indirect_dma source(%dma_start3A_112 : memref<1000000x128xf32, #tpu.memory_space<hbm>>) target(%dma_start3A_106 : memref<128x128xf32, #tpu.memory_space<vmem>>) offsets(%dma_start3A_109 : memref<128xi32, #tpu.memory_space<vmem>>) semaphore(%arg8 : memref<!tpu.dma_semaphore, #tpu.memory_space<semaphore_mem>>)
      %dma_wait3A_113 = arith.constant 0 : i32
      %dma_wait3A_114 = arith.constant 0 : i32
      %dma_wait3A_115 = arith.constant 0 : i32
      %dma_wait3A_116 = tpu.memref_slice %arg6[%dma_wait3A_113, %dma_wait3A_114, %dma_wait3A_115] : memref<2x128x128xf32, #tpu.memory_space<vmem>> -> memref<1x128x128xf32, #tpu.memory_space<vmem>>
      %dma_wait3A_117 = tpu.memref_squeeze %dma_wait3A_116 : memref<1x128x128xf32, #tpu.memory_space<vmem>> -> memref<128x128xf32, #tpu.memory_space<vmem>>
      %dma_wait3A_118 = arith.constant 0 : i32
      %dma_wait3A_119 = arith.constant 0 : i32
      %dma_wait3A_120 = tpu.memref_slice %dma_wait3A_117[%dma_wait3A_118, %dma_wait3A_119] : memref<128x128xf32, #tpu.memory_space<vmem>> -> memref<128x128xf32, #tpu.memory_space<vmem>>
      %dma_wait3A_121 = arith.constant 0 : i32
      %dma_wait3A_122 = tpu.memref_slice %arg5[%add3A_71, %dma_wait3A_121] : memref<32x128xi32, #tpu.memory_space<vmem>> -> memref<1x128xi32, #tpu.memory_space<vmem>>
      %dma_wait3A_123 = tpu.memref_squeeze %dma_wait3A_122 : memref<1x128xi32, #tpu.memory_space<vmem>> -> memref<128xi32, #tpu.memory_space<vmem>>
      %dma_wait3A_124 = arith.constant 0 : i32
      %dma_wait3A_125 = arith.constant 0 : i32
      %dma_wait3A_126 = tpu.memref_slice %arg3[%dma_wait3A_124, %dma_wait3A_125] : memref<1000000x128xf32, #tpu.memory_space<hbm>> -> memref<1000000x128xf32, #tpu.memory_space<hbm>>
      tpu.wait_indirect_dma semaphore(%arg7 : memref<!tpu.dma_semaphore, #tpu.memory_space<semaphore_mem>>) src(%dma_wait3A_126 : memref<1000000x128xf32, #tpu.memory_space<hbm>>) dst(%dma_wait3A_120 : memref<128x128xf32, #tpu.memory_space<vmem>>)
      %mul3A_127 = arith.constant 2 : i32
      %mul3A_128 = arith.muli %mul3A_127, %scan3A_60 : i32
      %add3A_129 = arith.constant 0 : i32
      %add3A_130 = arith.addi %mul3A_128, %add3A_129 : i32
      %mul3A_131 = arith.constant 3328 : i32
      %mul3A_132 = arith.muli %add3A, %mul3A_131 : i32
      %mul3A_133 = arith.constant 128 : i32
      %mul3A_134 = arith.muli %add3A_130, %mul3A_133 : i32
      %add3A_135 = arith.addi %mul3A_132, %mul3A_134 : i32
      %dma_start3A_136 = arith.constant 0 : i32
      %dma_start3A_137 = arith.constant 0 : i32
      %dma_start3A_138 = arith.constant 0 : i32
      %dma_start3A_139 = tpu.memref_slice %arg6[%dma_start3A_136, %dma_start3A_137, %dma_start3A_138] : memref<2x128x128xf32, #tpu.memory_space<vmem>> -> memref<1x128x128xf32, #tpu.memory_space<vmem>>
      %dma_start3A_140 = tpu.memref_squeeze %dma_start3A_139 : memref<1x128x128xf32, #tpu.memory_space<vmem>> -> memref<128x128xf32, #tpu.memory_space<vmem>>
      %dma_start3A_141 = arith.constant 0 : i32
      %dma_start3A_142 = tpu.memref_slice %arg4[%add3A_135, %dma_start3A_141] : memref<106496x128xf32, #tpu.memory_space<hbm>> -> memref<128x128xf32, #tpu.memory_space<hbm>>
      %dma_start3A_143 = arith.constant 0 : i32
      %dma_start3A_144 = tpu.memref_slice %arg4[%add3A_135, %dma_start3A_143] : memref<106496x128xf32, #tpu.memory_space<hbm>> -> memref<128x128xf32, #tpu.memory_space<hbm>>
      %dma_start3A_145 = arith.constant 0 : i32
      %dma_start3A_146 = arith.constant 0 : i32
      %dma_start3A_147 = tpu.memref_slice %arg6[%dma_start3A_136, %dma_start3A_145, %dma_start3A_146] : memref<2x128x128xf32, #tpu.memory_space<vmem>> -> memref<1x128x128xf32, #tpu.memory_space<vmem>>
      %dma_start3A_148 = tpu.memref_squeeze %dma_start3A_147 : memref<1x128x128xf32, #tpu.memory_space<vmem>> -> memref<128x128xf32, #tpu.memory_space<vmem>>
      tpu.enqueue_dma source(%dma_start3A_148 : memref<128x128xf32, #tpu.memory_space<vmem>>) target(%dma_start3A_144 : memref<128x128xf32, #tpu.memory_space<hbm>>) target_semaphore(%arg9 : memref<!tpu.dma_semaphore, #tpu.memory_space<semaphore_mem>>)
      %dma_wait3A_149 = arith.constant 1 : i32
      %dma_wait3A_150 = arith.constant 0 : i32
      %dma_wait3A_151 = arith.constant 0 : i32
      %dma_wait3A_152 = tpu.memref_slice %arg6[%dma_wait3A_149, %dma_wait3A_150, %dma_wait3A_151] : memref<2x128x128xf32, #tpu.memory_space<vmem>> -> memref<1x128x128xf32, #tpu.memory_space<vmem>>
      %dma_wait3A_153 = tpu.memref_squeeze %dma_wait3A_152 : memref<1x128x128xf32, #tpu.memory_space<vmem>> -> memref<128x128xf32, #tpu.memory_space<vmem>>
      %dma_wait3A_154 = arith.constant 0 : i32
      %dma_wait3A_155 = arith.constant 0 : i32
      %dma_wait3A_156 = tpu.memref_slice %dma_wait3A_153[%dma_wait3A_154, %dma_wait3A_155] : memref<128x128xf32, #tpu.memory_space<vmem>> -> memref<128x128xf32, #tpu.memory_space<vmem>>
      %dma_wait3A_157 = arith.constant 0 : i32
      %dma_wait3A_158 = tpu.memref_slice %arg5[%add3A_98, %dma_wait3A_157] : memref<32x128xi32, #tpu.memory_space<vmem>> -> memref<1x128xi32, #tpu.memory_space<vmem>>
      %dma_wait3A_159 = tpu.memref_squeeze %dma_wait3A_158 : memref<1x128xi32, #tpu.memory_space<vmem>> -> memref<128xi32, #tpu.memory_space<vmem>>
      %dma_wait3A_160 = arith.constant 0 : i32
      %dma_wait3A_161 = arith.constant 0 : i32
      %dma_wait3A_162 = tpu.memref_slice %arg3[%dma_wait3A_160, %dma_wait3A_161] : memref<1000000x128xf32, #tpu.memory_space<hbm>> -> memref<1000000x128xf32, #tpu.memory_space<hbm>>
      tpu.wait_indirect_dma semaphore(%arg8 : memref<!tpu.dma_semaphore, #tpu.memory_space<semaphore_mem>>) src(%dma_wait3A_162 : memref<1000000x128xf32, #tpu.memory_space<hbm>>) dst(%dma_wait3A_156 : memref<128x128xf32, #tpu.memory_space<vmem>>)
      %mul3A_163 = arith.constant 2 : i32
      %mul3A_164 = arith.muli %mul3A_163, %scan3A_60 : i32
      %add3A_165 = arith.constant 1 : i32
      %add3A_166 = arith.addi %mul3A_164, %add3A_165 : i32
      %mul3A_167 = arith.constant 3328 : i32
      %mul3A_168 = arith.muli %add3A, %mul3A_167 : i32
      %mul3A_169 = arith.constant 128 : i32
      %mul3A_170 = arith.muli %add3A_166, %mul3A_169 : i32
      %add3A_171 = arith.addi %mul3A_168, %mul3A_170 : i32
      %dma_start3A_172 = arith.constant 1 : i32
      %dma_start3A_173 = arith.constant 0 : i32
      %dma_start3A_174 = arith.constant 0 : i32
      %dma_start3A_175 = tpu.memref_slice %arg6[%dma_start3A_172, %dma_start3A_173, %dma_start3A_174] : memref<2x128x128xf32, #tpu.memory_space<vmem>> -> memref<1x128x128xf32, #tpu.memory_space<vmem>>
      %dma_start3A_176 = tpu.memref_squeeze %dma_start3A_175 : memref<1x128x128xf32, #tpu.memory_space<vmem>> -> memref<128x128xf32, #tpu.memory_space<vmem>>
      %dma_start3A_177 = arith.constant 0 : i32
      %dma_start3A_178 = tpu.memref_slice %arg4[%add3A_171, %dma_start3A_177] : memref<106496x128xf32, #tpu.memory_space<hbm>> -> memref<128x128xf32, #tpu.memory_space<hbm>>
      %dma_start3A_179 = arith.constant 0 : i32
      %dma_start3A_180 = tpu.memref_slice %arg4[%add3A_171, %dma_start3A_179] : memref<106496x128xf32, #tpu.memory_space<hbm>> -> memref<128x128xf32, #tpu.memory_space<hbm>>
      %dma_start3A_181 = arith.constant 0 : i32
      %dma_start3A_182 = arith.constant 0 : i32
      %dma_start3A_183 = tpu.memref_slice %arg6[%dma_start3A_172, %dma_start3A_181, %dma_start3A_182] : memref<2x128x128xf32, #tpu.memory_space<vmem>> -> memref<1x128x128xf32, #tpu.memory_space<vmem>>
      %dma_start3A_184 = tpu.memref_squeeze %dma_start3A_183 : memref<1x128x128xf32, #tpu.memory_space<vmem>> -> memref<128x128xf32, #tpu.memory_space<vmem>>
      tpu.enqueue_dma source(%dma_start3A_184 : memref<128x128xf32, #tpu.memory_space<vmem>>) target(%dma_start3A_180 : memref<128x128xf32, #tpu.memory_space<hbm>>) target_semaphore(%arg10 : memref<!tpu.dma_semaphore, #tpu.memory_space<semaphore_mem>>)
    }
    %scan3A_26 = arith.constant 13 : i32
    %mul3A_27 = arith.constant 3328 : i32
    %mul3A_28 = arith.muli %add3A, %mul3A_27 : i32
    %add3A_29 = arith.constant 0 : i32
    %add3A_30 = arith.addi %mul3A_28, %add3A_29 : i32
    %dma_wait3A = arith.constant 0 : i32
    %dma_wait3A_31 = arith.constant 0 : i32
    %dma_wait3A_32 = arith.constant 0 : i32
    %dma_wait3A_33 = tpu.memref_slice %arg6[%dma_wait3A, %dma_wait3A_31, %dma_wait3A_32] : memref<2x128x128xf32, #tpu.memory_space<vmem>> -> memref<1x128x128xf32, #tpu.memory_space<vmem>>
    %dma_wait3A_34 = tpu.memref_squeeze %dma_wait3A_33 : memref<1x128x128xf32, #tpu.memory_space<vmem>> -> memref<128x128xf32, #tpu.memory_space<vmem>>
    %dma_wait3A_35 = arith.constant 0 : i32
    %dma_wait3A_36 = tpu.memref_slice %arg4[%add3A_30, %dma_wait3A_35] : memref<106496x128xf32, #tpu.memory_space<hbm>> -> memref<128x128xf32, #tpu.memory_space<hbm>>
    %dma_wait3A_37 = arith.constant 0 : i32
    %dma_wait3A_38 = tpu.memref_slice %arg4[%add3A_30, %dma_wait3A_37] : memref<106496x128xf32, #tpu.memory_space<hbm>> -> memref<128x128xf32, #tpu.memory_space<hbm>>
    %dma_wait3A_39 = arith.constant 0 : i32
    %dma_wait3A_40 = arith.constant 0 : i32
    %dma_wait3A_41 = tpu.memref_slice %arg6[%dma_wait3A, %dma_wait3A_39, %dma_wait3A_40] : memref<2x128x128xf32, #tpu.memory_space<vmem>> -> memref<1x128x128xf32, #tpu.memory_space<vmem>>
    %dma_wait3A_42 = tpu.memref_squeeze %dma_wait3A_41 : memref<1x128x128xf32, #tpu.memory_space<vmem>> -> memref<128x128xf32, #tpu.memory_space<vmem>>
    tpu.wait_dma2 semaphore(%arg9 : memref<!tpu.dma_semaphore, #tpu.memory_space<semaphore_mem>>) src(%dma_wait3A_42 : memref<128x128xf32, #tpu.memory_space<vmem>>) dst(%dma_wait3A_38 : memref<128x128xf32, #tpu.memory_space<hbm>>)
    %mul3A_43 = arith.constant 3328 : i32
    %mul3A_44 = arith.muli %add3A, %mul3A_43 : i32
    %add3A_45 = arith.constant 0 : i32
    %add3A_46 = arith.addi %mul3A_44, %add3A_45 : i32
    %dma_wait3A_47 = arith.constant 1 : i32
    %dma_wait3A_48 = arith.constant 0 : i32
    %dma_wait3A_49 = arith.constant 0 : i32
    %dma_wait3A_50 = tpu.memref_slice %arg6[%dma_wait3A_47, %dma_wait3A_48, %dma_wait3A_49] : memref<2x128x128xf32, #tpu.memory_space<vmem>> -> memref<1x128x128xf32, #tpu.memory_space<vmem>>
    %dma_wait3A_51 = tpu.memref_squeeze %dma_wait3A_50 : memref<1x128x128xf32, #tpu.memory_space<vmem>> -> memref<128x128xf32, #tpu.memory_space<vmem>>
    %dma_wait3A_52 = arith.constant 0 : i32
    %dma_wait3A_53 = tpu.memref_slice %arg4[%add3A_46, %dma_wait3A_52] : memref<106496x128xf32, #tpu.memory_space<hbm>> -> memref<128x128xf32, #tpu.memory_space<hbm>>
    %dma_wait3A_54 = arith.constant 0 : i32
    %dma_wait3A_55 = tpu.memref_slice %arg4[%add3A_46, %dma_wait3A_54] : memref<106496x128xf32, #tpu.memory_space<hbm>> -> memref<128x128xf32, #tpu.memory_space<hbm>>
    %dma_wait3A_56 = arith.constant 0 : i32
    %dma_wait3A_57 = arith.constant 0 : i32
    %dma_wait3A_58 = tpu.memref_slice %arg6[%dma_wait3A_47, %dma_wait3A_56, %dma_wait3A_57] : memref<2x128x128xf32, #tpu.memory_space<vmem>> -> memref<1x128x128xf32, #tpu.memory_space<vmem>>
    %dma_wait3A_59 = tpu.memref_squeeze %dma_wait3A_58 : memref<1x128x128xf32, #tpu.memory_space<vmem>> -> memref<128x128xf32, #tpu.memory_space<vmem>>
    tpu.wait_dma2 semaphore(%arg10 : memref<!tpu.dma_semaphore, #tpu.memory_space<semaphore_mem>>) src(%dma_wait3A_59 : memref<128x128xf32, #tpu.memory_space<vmem>>) dst(%dma_wait3A_55 : memref<128x128xf32, #tpu.memory_space<hbm>>)
    return
  }
}

#map = affine_map<(d0, d1) -> (0, 0)>
module attributes {stable_mosaic.version = 14 : i64} {
  func.func @k(%arg0: i32, %arg1: i32, %arg2: memref<832x128xi32, #tpu.memory_space<hbm>>, %arg3: memref<1000000x128xf32, #tpu.memory_space<hbm>>, %arg4: memref<106496x128xf32, #tpu.memory_space<hbm>>, %arg5: memref<32x128xi32, #tpu.memory_space<vmem>>, %arg6: memref<2x128x128xf32, #tpu.memory_space<vmem>>, %arg7: memref<!tpu.dma_semaphore, #tpu.memory_space<semaphore_mem>>, %arg8: memref<!tpu.dma_semaphore, #tpu.memory_space<semaphore_mem>>, %arg9: memref<!tpu.dma_semaphore, #tpu.memory_space<semaphore_mem>>, %arg10: memref<!tpu.dma_semaphore, #tpu.memory_space<semaphore_mem>>) attributes {dimension_semantics = [#tpu.dimension_semantics<core_parallel>, #tpu.dimension_semantics<subcore_parallel>], iteration_bounds = array<i64: 2, 16>, scalar_prefetch = 0 : i64, scratch_operands = 6 : i64, tpu.core_type = #tpu.core_type<sc_vector_subcore>, window_params = [{transform_indices = #map}, {transform_indices = #map}, {transform_indices = #map}]} {
    %mul3A = arith.constant 2 : i32
    %mul3A_0 = arith.muli %arg1, %mul3A : i32
    %add3A = arith.addi %mul3A_0, %arg0 : i32
    %mul3A_1 = arith.constant 26 : i32
    %mul3A_2 = arith.muli %add3A, %mul3A_1 : i32
    %jit3A = arith.constant 8 : i32
    %div3A = arith.divsi %mul3A_2, %jit3A : i32
    %sign3A = arith.constant 0 : i32
    %sign3A_3 = arith.cmpi sgt, %mul3A_2, %sign3A : i32
    %sign3A_4 = arith.extui %sign3A_3 : i1 to i32
    %sign3A_5 = arith.constant 0 : i32
    %sign3A_6 = arith.cmpi slt, %mul3A_2, %sign3A_5 : i32
    %sign3A_7 = arith.extui %sign3A_6 : i1 to i32
    %sign3A_8 = arith.subi %sign3A_4, %sign3A_7 : i32
    %sign3A_9 = arith.constant 0 : i32
    %sign3A_10 = arith.cmpi sgt, %jit3A, %sign3A_9 : i32
    %sign3A_11 = arith.extui %sign3A_10 : i1 to i32
    %sign3A_12 = arith.constant 0 : i32
    %sign3A_13 = arith.cmpi slt, %jit3A, %sign3A_12 : i32
    %sign3A_14 = arith.extui %sign3A_13 : i1 to i32
    %sign3A_15 = arith.subi %sign3A_11, %sign3A_14 : i32
    %ne3A = arith.cmpi ne, %sign3A_8, %sign3A_15 : i32
    %rem3A = arith.remsi %mul3A_2, %jit3A : i32
    %ne3A_16 = arith.constant 0 : i32
    %ne3A_17 = arith.cmpi ne, %rem3A, %ne3A_16 : i32
    %and3A = arith.andi %ne3A, %ne3A_17 : i1
    %sub3A = arith.constant 1 : i32
    %sub3A_18 = arith.subi %div3A, %sub3A : i32
    %select_n3A = arith.select %and3A, %sub3A_18, %div3A : i32
    %mul3A_19 = arith.constant 8 : i32
    %mul3A_20 = arith.muli %select_n3A, %mul3A_19 : i32
    %multiple_of3A = tpu.assume_multiple %mul3A_20, 8 : i32
    %sub3A_21 = arith.subi %mul3A_2, %multiple_of3A : i32
    "tpu.region"() ({
      %run_scoped3A = tpu.sem_alloc : memref<!tpu.dma_semaphore, #tpu.memory_space<semaphore_mem>>
      %dma_start3A = arith.constant 0 : i32
      %dma_start3A_60 = tpu.memref_slice %arg2[%multiple_of3A, %dma_start3A] : memref<832x128xi32, #tpu.memory_space<hbm>> -> memref<32x128xi32, #tpu.memory_space<hbm>>
      %dma_start3A_61 = arith.constant 0 : i32
      %dma_start3A_62 = tpu.memref_slice %arg2[%multiple_of3A, %dma_start3A_61] : memref<832x128xi32, #tpu.memory_space<hbm>> -> memref<32x128xi32, #tpu.memory_space<hbm>>
      tpu.enqueue_dma source(%dma_start3A_62 : memref<32x128xi32, #tpu.memory_space<hbm>>) target(%arg5 : memref<32x128xi32, #tpu.memory_space<vmem>>) target_semaphore(%run_scoped3A : memref<!tpu.dma_semaphore, #tpu.memory_space<semaphore_mem>>)
      %dma_wait3A_63 = arith.constant 0 : i32
      %dma_wait3A_64 = tpu.memref_slice %arg2[%multiple_of3A, %dma_wait3A_63] : memref<832x128xi32, #tpu.memory_space<hbm>> -> memref<32x128xi32, #tpu.memory_space<hbm>>
      %dma_wait3A_65 = arith.constant 0 : i32
      %dma_wait3A_66 = tpu.memref_slice %arg2[%multiple_of3A, %dma_wait3A_65] : memref<832x128xi32, #tpu.memory_space<hbm>> -> memref<32x128xi32, #tpu.memory_space<hbm>>
      tpu.wait_dma2 semaphore(%run_scoped3A : memref<!tpu.dma_semaphore, #tpu.memory_space<semaphore_mem>>) src(%dma_wait3A_66 : memref<32x128xi32, #tpu.memory_space<hbm>>) dst(%arg5 : memref<32x128xi32, #tpu.memory_space<vmem>>)
      tpu.yield
    }) : () -> ()
    %scan3A = arith.constant 0 : i32
    %scan3A_22 = arith.constant 0 : i32
    %scan3A_23 = arith.constant 13 : i32
    %scan3A_24 = arith.addi %scan3A_22, %scan3A_23 : i32
    %scan3A_25 = arith.constant 1 : i32
    scf.for %scan3A_60 = %scan3A_22 to %scan3A_24 step %scan3A_25  : i32 {
      %gt3A = arith.constant 0 : i32
      %gt3A_61 = arith.cmpi sgt, %scan3A_60, %gt3A : i32
      %convert_element_type3A = arith.extui %gt3A_61 : i1 to i32
      %cond3A = arith.constant 0 : i32
      %cond3A_62 = arith.cmpi ne, %convert_element_type3A, %cond3A : i32
      scf.if %cond3A_62 {
        %mul3A_185 = arith.constant 3328 : i32
        %mul3A_186 = arith.muli %add3A, %mul3A_185 : i32
        %add3A_187 = arith.constant 0 : i32
        %add3A_188 = arith.addi %mul3A_186, %add3A_187 : i32
        %dma_wait3A_189 = arith.constant 0 : i32
        %dma_wait3A_190 = arith.constant 0 : i32
        %dma_wait3A_191 = arith.constant 0 : i32
        %dma_wait3A_192 = tpu.memref_slice %arg6[%dma_wait3A_189, %dma_wait3A_190, %dma_wait3A_191] : memref<2x128x128xf32, #tpu.memory_space<vmem>> -> memref<1x128x128xf32, #tpu.memory_space<vmem>>
        %dma_wait3A_193 = tpu.memref_squeeze %dma_wait3A_192 : memref<1x128x128xf32, #tpu.memory_space<vmem>> -> memref<128x128xf32, #tpu.memory_space<vmem>>
        %dma_wait3A_194 = arith.constant 0 : i32
        %dma_wait3A_195 = tpu.memref_slice %arg4[%add3A_188, %dma_wait3A_194] : memref<106496x128xf32, #tpu.memory_space<hbm>> -> memref<128x128xf32, #tpu.memory_space<hbm>>
        %dma_wait3A_196 = arith.constant 0 : i32
        %dma_wait3A_197 = tpu.memref_slice %arg4[%add3A_188, %dma_wait3A_196] : memref<106496x128xf32, #tpu.memory_space<hbm>> -> memref<128x128xf32, #tpu.memory_space<hbm>>
        %dma_wait3A_198 = arith.constant 0 : i32
        %dma_wait3A_199 = arith.constant 0 : i32
        %dma_wait3A_200 = tpu.memref_slice %arg6[%dma_wait3A_189, %dma_wait3A_198, %dma_wait3A_199] : memref<2x128x128xf32, #tpu.memory_space<vmem>> -> memref<1x128x128xf32, #tpu.memory_space<vmem>>
        %dma_wait3A_201 = tpu.memref_squeeze %dma_wait3A_200 : memref<1x128x128xf32, #tpu.memory_space<vmem>> -> memref<128x128xf32, #tpu.memory_space<vmem>>
        tpu.wait_dma2 semaphore(%arg9 : memref<!tpu.dma_semaphore, #tpu.memory_space<semaphore_mem>>) src(%dma_wait3A_201 : memref<128x128xf32, #tpu.memory_space<vmem>>) dst(%dma_wait3A_197 : memref<128x128xf32, #tpu.memory_space<hbm>>)
      } else {
      }
      %mul3A_63 = arith.constant 2 : i32
      %mul3A_64 = arith.muli %mul3A_63, %scan3A_60 : i32
      %add3A_65 = arith.constant 0 : i32
      %add3A_66 = arith.addi %mul3A_64, %add3A_65 : i32
      %mul3A_67 = arith.constant 1 : i32
      %mul3A_68 = arith.muli %add3A_66, %mul3A_67 : i32
      %add3A_69 = arith.constant 0 : i32
      %add3A_70 = arith.addi %mul3A_68, %add3A_69 : i32
      %add3A_71 = arith.addi %sub3A_21, %add3A_70 : i32
      %dma_start3A = arith.constant 0 : i32
      %dma_start3A_72 = arith.constant 0 : i32
      %dma_start3A_73 = arith.constant 0 : i32
      %dma_start3A_74 = tpu.memref_slice %arg6[%dma_start3A, %dma_start3A_72, %dma_start3A_73] : memref<2x128x128xf32, #tpu.memory_space<vmem>> -> memref<1x128x128xf32, #tpu.memory_space<vmem>>
      %dma_start3A_75 = tpu.memref_squeeze %dma_start3A_74 : memref<1x128x128xf32, #tpu.memory_space<vmem>> -> memref<128x128xf32, #tpu.memory_space<vmem>>
      %dma_start3A_76 = arith.constant 0 : i32
      %dma_start3A_77 = arith.constant 0 : i32
      %dma_start3A_78 = tpu.memref_slice %dma_start3A_75[%dma_start3A_76, %dma_start3A_77] : memref<128x128xf32, #tpu.memory_space<vmem>> -> memref<128x128xf32, #tpu.memory_space<vmem>>
      %dma_start3A_79 = arith.constant 0 : i32
      %dma_start3A_80 = tpu.memref_slice %arg5[%add3A_71, %dma_start3A_79] : memref<32x128xi32, #tpu.memory_space<vmem>> -> memref<1x128xi32, #tpu.memory_space<vmem>>
      %dma_start3A_81 = tpu.memref_squeeze %dma_start3A_80 : memref<1x128xi32, #tpu.memory_space<vmem>> -> memref<128xi32, #tpu.memory_space<vmem>>
      %dma_start3A_82 = arith.constant 0 : i32
      %dma_start3A_83 = arith.constant 0 : i32
      %dma_start3A_84 = tpu.memref_slice %arg3[%dma_start3A_82, %dma_start3A_83] : memref<1000000x128xf32, #tpu.memory_space<hbm>> -> memref<1000000x128xf32, #tpu.memory_space<hbm>>
      tpu.enqueue_indirect_dma source(%dma_start3A_84 : memref<1000000x128xf32, #tpu.memory_space<hbm>>) target(%dma_start3A_78 : memref<128x128xf32, #tpu.memory_space<vmem>>) offsets(%dma_start3A_81 : memref<128xi32, #tpu.memory_space<vmem>>) semaphore(%arg7 : memref<!tpu.dma_semaphore, #tpu.memory_space<semaphore_mem>>)
      %gt3A_85 = arith.constant 0 : i32
      %gt3A_86 = arith.cmpi sgt, %scan3A_60, %gt3A_85 : i32
      %convert_element_type3A_87 = arith.extui %gt3A_86 : i1 to i32
      %cond3A_88 = arith.constant 0 : i32
      %cond3A_89 = arith.cmpi ne, %convert_element_type3A_87, %cond3A_88 : i32
      scf.if %cond3A_89 {
        %mul3A_185 = arith.constant 3328 : i32
        %mul3A_186 = arith.muli %add3A, %mul3A_185 : i32
        %add3A_187 = arith.constant 0 : i32
        %add3A_188 = arith.addi %mul3A_186, %add3A_187 : i32
        %dma_wait3A_189 = arith.constant 1 : i32
        %dma_wait3A_190 = arith.constant 0 : i32
        %dma_wait3A_191 = arith.constant 0 : i32
        %dma_wait3A_192 = tpu.memref_slice %arg6[%dma_wait3A_189, %dma_wait3A_190, %dma_wait3A_191] : memref<2x128x128xf32, #tpu.memory_space<vmem>> -> memref<1x128x128xf32, #tpu.memory_space<vmem>>
        %dma_wait3A_193 = tpu.memref_squeeze %dma_wait3A_192 : memref<1x128x128xf32, #tpu.memory_space<vmem>> -> memref<128x128xf32, #tpu.memory_space<vmem>>
        %dma_wait3A_194 = arith.constant 0 : i32
        %dma_wait3A_195 = tpu.memref_slice %arg4[%add3A_188, %dma_wait3A_194] : memref<106496x128xf32, #tpu.memory_space<hbm>> -> memref<128x128xf32, #tpu.memory_space<hbm>>
        %dma_wait3A_196 = arith.constant 0 : i32
        %dma_wait3A_197 = tpu.memref_slice %arg4[%add3A_188, %dma_wait3A_196] : memref<106496x128xf32, #tpu.memory_space<hbm>> -> memref<128x128xf32, #tpu.memory_space<hbm>>
        %dma_wait3A_198 = arith.constant 0 : i32
        %dma_wait3A_199 = arith.constant 0 : i32
        %dma_wait3A_200 = tpu.memref_slice %arg6[%dma_wait3A_189, %dma_wait3A_198, %dma_wait3A_199] : memref<2x128x128xf32, #tpu.memory_space<vmem>> -> memref<1x128x128xf32, #tpu.memory_space<vmem>>
        %dma_wait3A_201 = tpu.memref_squeeze %dma_wait3A_200 : memref<1x128x128xf32, #tpu.memory_space<vmem>> -> memref<128x128xf32, #tpu.memory_space<vmem>>
        tpu.wait_dma2 semaphore(%arg10 : memref<!tpu.dma_semaphore, #tpu.memory_space<semaphore_mem>>) src(%dma_wait3A_201 : memref<128x128xf32, #tpu.memory_space<vmem>>) dst(%dma_wait3A_197 : memref<128x128xf32, #tpu.memory_space<hbm>>)
      } else {
      }
      %mul3A_90 = arith.constant 2 : i32
      %mul3A_91 = arith.muli %mul3A_90, %scan3A_60 : i32
      %add3A_92 = arith.constant 1 : i32
      %add3A_93 = arith.addi %mul3A_91, %add3A_92 : i32
      %mul3A_94 = arith.constant 1 : i32
      %mul3A_95 = arith.muli %add3A_93, %mul3A_94 : i32
      %add3A_96 = arith.constant 0 : i32
      %add3A_97 = arith.addi %mul3A_95, %add3A_96 : i32
      %add3A_98 = arith.addi %sub3A_21, %add3A_97 : i32
      %dma_start3A_99 = arith.constant 1 : i32
      %dma_start3A_100 = arith.constant 0 : i32
      %dma_start3A_101 = arith.constant 0 : i32
      %dma_start3A_102 = tpu.memref_slice %arg6[%dma_start3A_99, %dma_start3A_100, %dma_start3A_101] : memref<2x128x128xf32, #tpu.memory_space<vmem>> -> memref<1x128x128xf32, #tpu.memory_space<vmem>>
      %dma_start3A_103 = tpu.memref_squeeze %dma_start3A_102 : memref<1x128x128xf32, #tpu.memory_space<vmem>> -> memref<128x128xf32, #tpu.memory_space<vmem>>
      %dma_start3A_104 = arith.constant 0 : i32
      %dma_start3A_105 = arith.constant 0 : i32
      %dma_start3A_106 = tpu.memref_slice %dma_start3A_103[%dma_start3A_104, %dma_start3A_105] : memref<128x128xf32, #tpu.memory_space<vmem>> -> memref<128x128xf32, #tpu.memory_space<vmem>>
      %dma_start3A_107 = arith.constant 0 : i32
      %dma_start3A_108 = tpu.memref_slice %arg5[%add3A_98, %dma_start3A_107] : memref<32x128xi32, #tpu.memory_space<vmem>> -> memref<1x128xi32, #tpu.memory_space<vmem>>
      %dma_start3A_109 = tpu.memref_squeeze %dma_start3A_108 : memref<1x128xi32, #tpu.memory_space<vmem>> -> memref<128xi32, #tpu.memory_space<vmem>>
      %dma_start3A_110 = arith.constant 0 : i32
      %dma_start3A_111 = arith.constant 0 : i32
      %dma_start3A_112 = tpu.memref_slice %arg3[%dma_start3A_110, %dma_start3A_111] : memref<1000000x128xf32, #tpu.memory_space<hbm>> -> memref<1000000x128xf32, #tpu.memory_space<hbm>>
      tpu.enqueue_indirect_dma source(%dma_start3A_112 : memref<1000000x128xf32, #tpu.memory_space<hbm>>) target(%dma_start3A_106 : memref<128x128xf32, #tpu.memory_space<vmem>>) offsets(%dma_start3A_109 : memref<128xi32, #tpu.memory_space<vmem>>) semaphore(%arg8 : memref<!tpu.dma_semaphore, #tpu.memory_space<semaphore_mem>>)
      %dma_wait3A_113 = arith.constant 0 : i32
      %dma_wait3A_114 = arith.constant 0 : i32
      %dma_wait3A_115 = arith.constant 0 : i32
      %dma_wait3A_116 = tpu.memref_slice %arg6[%dma_wait3A_113, %dma_wait3A_114, %dma_wait3A_115] : memref<2x128x128xf32, #tpu.memory_space<vmem>> -> memref<1x128x128xf32, #tpu.memory_space<vmem>>
      %dma_wait3A_117 = tpu.memref_squeeze %dma_wait3A_116 : memref<1x128x128xf32, #tpu.memory_space<vmem>> -> memref<128x128xf32, #tpu.memory_space<vmem>>
      %dma_wait3A_118 = arith.constant 0 : i32
      %dma_wait3A_119 = arith.constant 0 : i32
      %dma_wait3A_120 = tpu.memref_slice %dma_wait3A_117[%dma_wait3A_118, %dma_wait3A_119] : memref<128x128xf32, #tpu.memory_space<vmem>> -> memref<128x128xf32, #tpu.memory_space<vmem>>
      %dma_wait3A_121 = arith.constant 0 : i32
      %dma_wait3A_122 = tpu.memref_slice %arg5[%add3A_71, %dma_wait3A_121] : memref<32x128xi32, #tpu.memory_space<vmem>> -> memref<1x128xi32, #tpu.memory_space<vmem>>
      %dma_wait3A_123 = tpu.memref_squeeze %dma_wait3A_122 : memref<1x128xi32, #tpu.memory_space<vmem>> -> memref<128xi32, #tpu.memory_space<vmem>>
      %dma_wait3A_124 = arith.constant 0 : i32
      %dma_wait3A_125 = arith.constant 0 : i32
      %dma_wait3A_126 = tpu.memref_slice %arg3[%dma_wait3A_124, %dma_wait3A_125] : memref<1000000x128xf32, #tpu.memory_space<hbm>> -> memref<1000000x128xf32, #tpu.memory_space<hbm>>
      tpu.wait_indirect_dma semaphore(%arg7 : memref<!tpu.dma_semaphore, #tpu.memory_space<semaphore_mem>>) src(%dma_wait3A_126 : memref<1000000x128xf32, #tpu.memory_space<hbm>>) dst(%dma_wait3A_120 : memref<128x128xf32, #tpu.memory_space<vmem>>)
      %mul3A_127 = arith.constant 2 : i32
      %mul3A_128 = arith.muli %mul3A_127, %scan3A_60 : i32
      %add3A_129 = arith.constant 0 : i32
      %add3A_130 = arith.addi %mul3A_128, %add3A_129 : i32
      %mul3A_131 = arith.constant 3328 : i32
      %mul3A_132 = arith.muli %add3A, %mul3A_131 : i32
      %mul3A_133 = arith.constant 128 : i32
      %mul3A_134 = arith.muli %add3A_130, %mul3A_133 : i32
      %add3A_135 = arith.addi %mul3A_132, %mul3A_134 : i32
      %dma_start3A_136 = arith.constant 0 : i32
      %dma_start3A_137 = arith.constant 0 : i32
      %dma_start3A_138 = arith.constant 0 : i32
      %dma_start3A_139 = tpu.memref_slice %arg6[%dma_start3A_136, %dma_start3A_137, %dma_start3A_138] : memref<2x128x128xf32, #tpu.memory_space<vmem>> -> memref<1x128x128xf32, #tpu.memory_space<vmem>>
      %dma_start3A_140 = tpu.memref_squeeze %dma_start3A_139 : memref<1x128x128xf32, #tpu.memory_space<vmem>> -> memref<128x128xf32, #tpu.memory_space<vmem>>
      %dma_start3A_141 = arith.constant 0 : i32
      %dma_start3A_142 = tpu.memref_slice %arg4[%add3A_135, %dma_start3A_141] : memref<106496x128xf32, #tpu.memory_space<hbm>> -> memref<128x128xf32, #tpu.memory_space<hbm>>
      %dma_start3A_143 = arith.constant 0 : i32
      %dma_start3A_144 = tpu.memref_slice %arg4[%add3A_135, %dma_start3A_143] : memref<106496x128xf32, #tpu.memory_space<hbm>> -> memref<128x128xf32, #tpu.memory_space<hbm>>
      %dma_start3A_145 = arith.constant 0 : i32
      %dma_start3A_146 = arith.constant 0 : i32
      %dma_start3A_147 = tpu.memref_slice %arg6[%dma_start3A_136, %dma_start3A_145, %dma_start3A_146] : memref<2x128x128xf32, #tpu.memory_space<vmem>> -> memref<1x128x128xf32, #tpu.memory_space<vmem>>
      %dma_start3A_148 = tpu.memref_squeeze %dma_start3A_147 : memref<1x128x128xf32, #tpu.memory_space<vmem>> -> memref<128x128xf32, #tpu.memory_space<vmem>>
      tpu.enqueue_dma source(%dma_start3A_148 : memref<128x128xf32, #tpu.memory_space<vmem>>) target(%dma_start3A_144 : memref<128x128xf32, #tpu.memory_space<hbm>>) target_semaphore(%arg9 : memref<!tpu.dma_semaphore, #tpu.memory_space<semaphore_mem>>)
      %dma_wait3A_149 = arith.constant 1 : i32
      %dma_wait3A_150 = arith.constant 0 : i32
      %dma_wait3A_151 = arith.constant 0 : i32
      %dma_wait3A_152 = tpu.memref_slice %arg6[%dma_wait3A_149, %dma_wait3A_150, %dma_wait3A_151] : memref<2x128x128xf32, #tpu.memory_space<vmem>> -> memref<1x128x128xf32, #tpu.memory_space<vmem>>
      %dma_wait3A_153 = tpu.memref_squeeze %dma_wait3A_152 : memref<1x128x128xf32, #tpu.memory_space<vmem>> -> memref<128x128xf32, #tpu.memory_space<vmem>>
      %dma_wait3A_154 = arith.constant 0 : i32
      %dma_wait3A_155 = arith.constant 0 : i32
      %dma_wait3A_156 = tpu.memref_slice %dma_wait3A_153[%dma_wait3A_154, %dma_wait3A_155] : memref<128x128xf32, #tpu.memory_space<vmem>> -> memref<128x128xf32, #tpu.memory_space<vmem>>
      %dma_wait3A_157 = arith.constant 0 : i32
      %dma_wait3A_158 = tpu.memref_slice %arg5[%add3A_98, %dma_wait3A_157] : memref<32x128xi32, #tpu.memory_space<vmem>> -> memref<1x128xi32, #tpu.memory_space<vmem>>
      %dma_wait3A_159 = tpu.memref_squeeze %dma_wait3A_158 : memref<1x128xi32, #tpu.memory_space<vmem>> -> memref<128xi32, #tpu.memory_space<vmem>>
      %dma_wait3A_160 = arith.constant 0 : i32
      %dma_wait3A_161 = arith.constant 0 : i32
      %dma_wait3A_162 = tpu.memref_slice %arg3[%dma_wait3A_160, %dma_wait3A_161] : memref<1000000x128xf32, #tpu.memory_space<hbm>> -> memref<1000000x128xf32, #tpu.memory_space<hbm>>
      tpu.wait_indirect_dma semaphore(%arg8 : memref<!tpu.dma_semaphore, #tpu.memory_space<semaphore_mem>>) src(%dma_wait3A_162 : memref<1000000x128xf32, #tpu.memory_space<hbm>>) dst(%dma_wait3A_156 : memref<128x128xf32, #tpu.memory_space<vmem>>)
      %mul3A_163 = arith.constant 2 : i32
      %mul3A_164 = arith.muli %mul3A_163, %scan3A_60 : i32
      %add3A_165 = arith.constant 1 : i32
      %add3A_166 = arith.addi %mul3A_164, %add3A_165 : i32
      %mul3A_167 = arith.constant 3328 : i32
      %mul3A_168 = arith.muli %add3A, %mul3A_167 : i32
      %mul3A_169 = arith.constant 128 : i32
      %mul3A_170 = arith.muli %add3A_166, %mul3A_169 : i32
      %add3A_171 = arith.addi %mul3A_168, %mul3A_170 : i32
      %dma_start3A_172 = arith.constant 1 : i32
      %dma_start3A_173 = arith.constant 0 : i32
      %dma_start3A_174 = arith.constant 0 : i32
      %dma_start3A_175 = tpu.memref_slice %arg6[%dma_start3A_172, %dma_start3A_173, %dma_start3A_174] : memref<2x128x128xf32, #tpu.memory_space<vmem>> -> memref<1x128x128xf32, #tpu.memory_space<vmem>>
      %dma_start3A_176 = tpu.memref_squeeze %dma_start3A_175 : memref<1x128x128xf32, #tpu.memory_space<vmem>> -> memref<128x128xf32, #tpu.memory_space<vmem>>
      %dma_start3A_177 = arith.constant 0 : i32
      %dma_start3A_178 = tpu.memref_slice %arg4[%add3A_171, %dma_start3A_177] : memref<106496x128xf32, #tpu.memory_space<hbm>> -> memref<128x128xf32, #tpu.memory_space<hbm>>
      %dma_start3A_179 = arith.constant 0 : i32
      %dma_start3A_180 = tpu.memref_slice %arg4[%add3A_171, %dma_start3A_179] : memref<106496x128xf32, #tpu.memory_space<hbm>> -> memref<128x128xf32, #tpu.memory_space<hbm>>
      %dma_start3A_181 = arith.constant 0 : i32
      %dma_start3A_182 = arith.constant 0 : i32
      %dma_start3A_183 = tpu.memref_slice %arg6[%dma_start3A_172, %dma_start3A_181, %dma_start3A_182] : memref<2x128x128xf32, #tpu.memory_space<vmem>> -> memref<1x128x128xf32, #tpu.memory_space<vmem>>
      %dma_start3A_184 = tpu.memref_squeeze %dma_start3A_183 : memref<1x128x128xf32, #tpu.memory_space<vmem>> -> memref<128x128xf32, #tpu.memory_space<vmem>>
      tpu.enqueue_dma source(%dma_start3A_184 : memref<128x128xf32, #tpu.memory_space<vmem>>) target(%dma_start3A_180 : memref<128x128xf32, #tpu.memory_space<hbm>>) target_semaphore(%arg10 : memref<!tpu.dma_semaphore, #tpu.memory_space<semaphore_mem>>)
    }
    %scan3A_26 = arith.constant 13 : i32
    %mul3A_27 = arith.constant 3328 : i32
    %mul3A_28 = arith.muli %add3A, %mul3A_27 : i32
    %add3A_29 = arith.constant 0 : i32
    %add3A_30 = arith.addi %mul3A_28, %add3A_29 : i32
    %dma_wait3A = arith.constant 0 : i32
    %dma_wait3A_31 = arith.constant 0 : i32
    %dma_wait3A_32 = arith.constant 0 : i32
    %dma_wait3A_33 = tpu.memref_slice %arg6[%dma_wait3A, %dma_wait3A_31, %dma_wait3A_32] : memref<2x128x128xf32, #tpu.memory_space<vmem>> -> memref<1x128x128xf32, #tpu.memory_space<vmem>>
    %dma_wait3A_34 = tpu.memref_squeeze %dma_wait3A_33 : memref<1x128x128xf32, #tpu.memory_space<vmem>> -> memref<128x128xf32, #tpu.memory_space<vmem>>
    %dma_wait3A_35 = arith.constant 0 : i32
    %dma_wait3A_36 = tpu.memref_slice %arg4[%add3A_30, %dma_wait3A_35] : memref<106496x128xf32, #tpu.memory_space<hbm>> -> memref<128x128xf32, #tpu.memory_space<hbm>>
    %dma_wait3A_37 = arith.constant 0 : i32
    %dma_wait3A_38 = tpu.memref_slice %arg4[%add3A_30, %dma_wait3A_37] : memref<106496x128xf32, #tpu.memory_space<hbm>> -> memref<128x128xf32, #tpu.memory_space<hbm>>
    %dma_wait3A_39 = arith.constant 0 : i32
    %dma_wait3A_40 = arith.constant 0 : i32
    %dma_wait3A_41 = tpu.memref_slice %arg6[%dma_wait3A, %dma_wait3A_39, %dma_wait3A_40] : memref<2x128x128xf32, #tpu.memory_space<vmem>> -> memref<1x128x128xf32, #tpu.memory_space<vmem>>
    %dma_wait3A_42 = tpu.memref_squeeze %dma_wait3A_41 : memref<1x128x128xf32, #tpu.memory_space<vmem>> -> memref<128x128xf32, #tpu.memory_space<vmem>>
    tpu.wait_dma2 semaphore(%arg9 : memref<!tpu.dma_semaphore, #tpu.memory_space<semaphore_mem>>) src(%dma_wait3A_42 : memref<128x128xf32, #tpu.memory_space<vmem>>) dst(%dma_wait3A_38 : memref<128x128xf32, #tpu.memory_space<hbm>>)
    %mul3A_43 = arith.constant 3328 : i32
    %mul3A_44 = arith.muli %add3A, %mul3A_43 : i32
    %add3A_45 = arith.constant 0 : i32
    %add3A_46 = arith.addi %mul3A_44, %add3A_45 : i32
    %dma_wait3A_47 = arith.constant 1 : i32
    %dma_wait3A_48 = arith.constant 0 : i32
    %dma_wait3A_49 = arith.constant 0 : i32
    %dma_wait3A_50 = tpu.memref_slice %arg6[%dma_wait3A_47, %dma_wait3A_48, %dma_wait3A_49] : memref<2x128x128xf32, #tpu.memory_space<vmem>> -> memref<1x128x128xf32, #tpu.memory_space<vmem>>
    %dma_wait3A_51 = tpu.memref_squeeze %dma_wait3A_50 : memref<1x128x128xf32, #tpu.memory_space<vmem>> -> memref<128x128xf32, #tpu.memory_space<vmem>>
    %dma_wait3A_52 = arith.constant 0 : i32
    %dma_wait3A_53 = tpu.memref_slice %arg4[%add3A_46, %dma_wait3A_52] : memref<106496x128xf32, #tpu.memory_space<hbm>> -> memref<128x128xf32, #tpu.memory_space<hbm>>
    %dma_wait3A_54 = arith.constant 0 : i32
    %dma_wait3A_55 = tpu.memref_slice %arg4[%add3A_46, %dma_wait3A_54] : memref<106496x128xf32, #tpu.memory_space<hbm>> -> memref<128x128xf32, #tpu.memory_space<hbm>>
    %dma_wait3A_56 = arith.constant 0 : i32
    %dma_wait3A_57 = arith.constant 0 : i32
    %dma_wait3A_58 = tpu.memref_slice %arg6[%dma_wait3A_47, %dma_wait3A_56, %dma_wait3A_57] : memref<2x128x128xf32, #tpu.memory_space<vmem>> -> memref<1x128x128xf32, #tpu.memory_space<vmem>>
    %dma_wait3A_59 = tpu.memref_squeeze %dma_wait3A_58 : memref<1x128x128xf32, #tpu.memory_space<vmem>> -> memref<128x128xf32, #tpu.memory_space<vmem>>
    tpu.wait_dma2 semaphore(%arg10 : memref<!tpu.dma_semaphore, #tpu.memory_space<semaphore_mem>>) src(%dma_wait3A_59 : memref<128x128xf32, #tpu.memory_space<vmem>>) dst(%dma_wait3A_55 : memref<128x128xf32, #tpu.memory_space<hbm>>)
    return
  }
}

module attributes {stable_mosaic.version = 14 : i64} {
  func.func @_tc_body(%arg0: i32, %arg1: memref<512x13xf32, #tpu.memory_space<vmem>>, %arg2: memref<13312x128xf32, #tpu.memory_space<vmem>>, %arg3: memref<13x512xbf16, #tpu.memory_space<vmem>>, %arg4: memref<1x512xf32, #tpu.memory_space<vmem>>, %arg5: memref<512x256xbf16, #tpu.memory_space<vmem>>, %arg6: memref<1x256xf32, #tpu.memory_space<vmem>>, %arg7: memref<256x128xbf16, #tpu.memory_space<vmem>>, %arg8: memref<1x128xf32, #tpu.memory_space<vmem>>, %arg9: memref<128x1024xbf16, #tpu.memory_space<vmem>>, %arg10: memref<729x1024xbf16, #tpu.memory_space<vmem>>, %arg11: memref<1x1024xf32, #tpu.memory_space<vmem>>, %arg12: memref<1024x1024xbf16, #tpu.memory_space<vmem>>, %arg13: memref<1x1024xf32, #tpu.memory_space<vmem>>, %arg14: memref<1024x512xbf16, #tpu.memory_space<vmem>>, %arg15: memref<1x512xf32, #tpu.memory_space<vmem>>, %arg16: memref<512x256xbf16, #tpu.memory_space<vmem>>, %arg17: memref<1x256xf32, #tpu.memory_space<vmem>>, %arg18: memref<256x1xbf16, #tpu.memory_space<vmem>>, %arg19: memref<1x1xf32, #tpu.memory_space<vmem>>, %arg20: memref<512x1xf32, #tpu.memory_space<vmem>>) attributes {dimension_semantics = [#tpu.dimension_semantics<arbitrary>], iteration_bounds = array<i64: 8>, scalar_prefetch = 0 : i64, scratch_operands = 0 : i64, tpu.core_type = #tpu.core_type<tc>, window_params = [{transform_indices = @transform_0, window_bounds = array<i64: 512, 13>}, {transform_indices = @transform_1, window_bounds = array<i64: 13312, 128>}, {pipeline_mode = #tpu.pipeline_mode<synchronous>, transform_indices = @transform_2, window_bounds = array<i64: 13, 512>}, {pipeline_mode = #tpu.pipeline_mode<synchronous>, transform_indices = @transform_3, window_bounds = array<i64: 1, 512>}, {pipeline_mode = #tpu.pipeline_mode<synchronous>, transform_indices = @transform_4, window_bounds = array<i64: 512, 256>}, {pipeline_mode = #tpu.pipeline_mode<synchronous>, transform_indices = @transform_5, window_bounds = array<i64: 1, 256>}, {pipeline_mode = #tpu.pipeline_mode<synchronous>, transform_indices = @transform_6, window_bounds = array<i64: 256, 128>}, {pipeline_mode = #tpu.pipeline_mode<synchronous>, transform_indices = @transform_7, window_bounds = array<i64: 1, 128>}, {pipeline_mode = #tpu.pipeline_mode<synchronous>, transform_indices = @transform_8, window_bounds = array<i64: 128, 1024>}, {pipeline_mode = #tpu.pipeline_mode<synchronous>, transform_indices = @transform_9, window_bounds = array<i64: 729, 1024>}, {pipeline_mode = #tpu.pipeline_mode<synchronous>, transform_indices = @transform_10, window_bounds = array<i64: 1, 1024>}, {pipeline_mode = #tpu.pipeline_mode<synchronous>, transform_indices = @transform_11, window_bounds = array<i64: 1024, 1024>}, {pipeline_mode = #tpu.pipeline_mode<synchronous>, transform_indices = @transform_12, window_bounds = array<i64: 1, 1024>}, {pipeline_mode = #tpu.pipeline_mode<synchronous>, transform_indices = @transform_13, window_bounds = array<i64: 1024, 512>}, {pipeline_mode = #tpu.pipeline_mode<synchronous>, transform_indices = @transform_14, window_bounds = array<i64: 1, 512>}, {pipeline_mode = #tpu.pipeline_mode<synchronous>, transform_indices = @transform_15, window_bounds = array<i64: 512, 256>}, {pipeline_mode = #tpu.pipeline_mode<synchronous>, transform_indices = @transform_16, window_bounds = array<i64: 1, 256>}, {pipeline_mode = #tpu.pipeline_mode<synchronous>, transform_indices = @transform_17, window_bounds = array<i64: 256, 1>}, {pipeline_mode = #tpu.pipeline_mode<synchronous>, transform_indices = @transform_18, window_bounds = array<i64: 1, 1>}, {transform_indices = @transform_19, window_bounds = array<i64: 512, 1>}]} {
    %get3A = arith.constant 0 : index
    %get3A_0 = arith.constant 0 : index
    %get3A_1 = vector.load %arg1[%get3A, %get3A_0] : memref<512x13xf32, #tpu.memory_space<vmem>>, vector<512x13xf32>
    %get3A_2 = arith.constant 0 : index
    %get3A_3 = arith.constant 0 : index
    %get3A_4 = vector.load %arg3[%get3A_2, %get3A_3] : memref<13x512xbf16, #tpu.memory_space<vmem>>, vector<13x512xbf16>
    %dot_general3A = arith.constant dense<0.000000e+00> : vector<512x512xf32>
    %dot_general3A_5 = tpu.matmul %get3A_1, %get3A_4, %dot_general3A {dimension_numbers = #tpu.dot_dimension_numbers<[1], [0], [0], [1], [0, 0, 1, 1], [], []>, transpose_lhs_hint = false} : vector<512x13xf32>, vector<13x512xbf16>, vector<512x512xf32> -> vector<512x512xf32>
    %get3A_6 = arith.constant 0 : index
    %get3A_7 = arith.constant 0 : index
    %get3A_8 = vector.load %arg4[%get3A_6, %get3A_7] : memref<1x512xf32, #tpu.memory_space<vmem>>, vector<1x512xf32>
    %add3A = vector.broadcast %get3A_8 : vector<1x512xf32> to vector<512x512xf32>
    %add3A_9 = arith.addf %dot_general3A_5, %add3A : vector<512x512xf32>
    %max3A = arith.constant 0.000000e+00 : f32
    %max3A_10 = vector.broadcast %max3A : f32 to vector<512x512xf32>
    %max3A_11 = arith.maximumf %add3A_9, %max3A_10 : vector<512x512xf32>
    %get3A_12 = arith.constant 0 : index
    %get3A_13 = arith.constant 0 : index
    %get3A_14 = vector.load %arg5[%get3A_12, %get3A_13] : memref<512x256xbf16, #tpu.memory_space<vmem>>, vector<512x256xbf16>
    %dot_general3A_15 = arith.constant dense<0.000000e+00> : vector<512x256xf32>
    %dot_general3A_16 = tpu.matmul %max3A_11, %get3A_14, %dot_general3A_15 {dimension_numbers = #tpu.dot_dimension_numbers<[1], [0], [0], [1], [0, 0, 1, 1], [], []>, transpose_lhs_hint = false} : vector<512x512xf32>, vector<512x256xbf16>, vector<512x256xf32> -> vector<512x256xf32>
    %get3A_17 = arith.constant 0 : index
    %get3A_18 = arith.constant 0 : index
    %get3A_19 = vector.load %arg6[%get3A_17, %get3A_18] : memref<1x256xf32, #tpu.memory_space<vmem>>, vector<1x256xf32>
    %add3A_20 = vector.broadcast %get3A_19 : vector<1x256xf32> to vector<512x256xf32>
    %add3A_21 = arith.addf %dot_general3A_16, %add3A_20 : vector<512x256xf32>
    %max3A_22 = arith.constant 0.000000e+00 : f32
    %max3A_23 = vector.broadcast %max3A_22 : f32 to vector<512x256xf32>
    %max3A_24 = arith.maximumf %add3A_21, %max3A_23 : vector<512x256xf32>
    %get3A_25 = arith.constant 0 : index
    %get3A_26 = arith.constant 0 : index
    %get3A_27 = vector.load %arg7[%get3A_25, %get3A_26] : memref<256x128xbf16, #tpu.memory_space<vmem>>, vector<256x128xbf16>
    %dot_general3A_28 = arith.constant dense<0.000000e+00> : vector<512x128xf32>
    %dot_general3A_29 = tpu.matmul %max3A_24, %get3A_27, %dot_general3A_28 {dimension_numbers = #tpu.dot_dimension_numbers<[1], [0], [0], [1], [0, 0, 1, 1], [], []>, transpose_lhs_hint = false} : vector<512x256xf32>, vector<256x128xbf16>, vector<512x128xf32> -> vector<512x128xf32>
    %get3A_30 = arith.constant 0 : index
    %get3A_31 = arith.constant 0 : index
    %get3A_32 = vector.load %arg8[%get3A_30, %get3A_31] : memref<1x128xf32, #tpu.memory_space<vmem>>, vector<1x128xf32>
    %add3A_33 = vector.broadcast %get3A_32 : vector<1x128xf32> to vector<512x128xf32>
    %add3A_34 = arith.addf %dot_general3A_29, %add3A_33 : vector<512x128xf32>
    %max3A_35 = arith.constant 0.000000e+00 : f32
    %max3A_36 = vector.broadcast %max3A_35 : f32 to vector<512x128xf32>
    %max3A_37 = arith.maximumf %add3A_34, %max3A_36 : vector<512x128xf32>
    %get3A_38 = arith.constant 0 : index
    %get3A_39 = arith.constant 0 : index
    %get3A_40 = vector.load %arg2[%get3A_38, %get3A_39] : memref<13312x128xf32, #tpu.memory_space<vmem>>, vector<13312x128xf32>
    %reshape3A = vector.shape_cast %get3A_40 : vector<13312x128xf32> to vector<512x26x128xf32>
    %broadcast_in_dim3A = vector.shape_cast %max3A_37 : vector<512x128xf32> to vector<512x1x128xf32>
    %concatenate3A = tpu.concatenate %reshape3A, %broadcast_in_dim3A in 1 : vector<512x26x128xf32>, vector<512x1x128xf32> -> vector<512x27x128xf32>
    %dot_general3A_41 = arith.constant dense<0.000000e+00> : vector<512x27x27xf32>
    %dot_general3A_42 = tpu.matmul %concatenate3A, %concatenate3A, %dot_general3A_41 {dimension_numbers = #tpu.dot_dimension_numbers<[2], [2], [1], [1], [0, 0, 0, 1, 1, 1], [0], [0]>, transpose_lhs_hint = false} : vector<512x27x128xf32>, vector<512x27x128xf32>, vector<512x27x27xf32> -> vector<512x27x27xf32>
    %reshape3A_43 = vector.shape_cast %dot_general3A_42 : vector<512x27x27xf32> to vector<512x729xf32>
    %get3A_44 = arith.constant 0 : index
    %get3A_45 = arith.constant 0 : index
    %get3A_46 = vector.load %arg9[%get3A_44, %get3A_45] : memref<128x1024xbf16, #tpu.memory_space<vmem>>, vector<128x1024xbf16>
    %dot_general3A_47 = arith.constant dense<0.000000e+00> : vector<512x1024xf32>
    %dot_general3A_48 = tpu.matmul %max3A_37, %get3A_46, %dot_general3A_47 {dimension_numbers = #tpu.dot_dimension_numbers<[1], [0], [0], [1], [0, 0, 1, 1], [], []>, transpose_lhs_hint = false} : vector<512x128xf32>, vector<128x1024xbf16>, vector<512x1024xf32> -> vector<512x1024xf32>
    %get3A_49 = arith.constant 0 : index
    %get3A_50 = arith.constant 0 : index
    %get3A_51 = vector.load %arg10[%get3A_49, %get3A_50] : memref<729x1024xbf16, #tpu.memory_space<vmem>>, vector<729x1024xbf16>
    %dot_general3A_52 = arith.constant dense<0.000000e+00> : vector<512x1024xf32>
    %dot_general3A_53 = tpu.matmul %reshape3A_43, %get3A_51, %dot_general3A_52 {dimension_numbers = #tpu.dot_dimension_numbers<[1], [0], [0], [1], [0, 0, 1, 1], [], []>, transpose_lhs_hint = false} : vector<512x729xf32>, vector<729x1024xbf16>, vector<512x1024xf32> -> vector<512x1024xf32>
    %add3A_54 = arith.addf %dot_general3A_48, %dot_general3A_53 : vector<512x1024xf32>
    %get3A_55 = arith.constant 0 : index
    %get3A_56 = arith.constant 0 : index
    %get3A_57 = vector.load %arg11[%get3A_55, %get3A_56] : memref<1x1024xf32, #tpu.memory_space<vmem>>, vector<1x1024xf32>
    %add3A_58 = vector.broadcast %get3A_57 : vector<1x1024xf32> to vector<512x1024xf32>
    %add3A_59 = arith.addf %add3A_54, %add3A_58 : vector<512x1024xf32>
    %max3A_60 = arith.constant 0.000000e+00 : f32
    %max3A_61 = vector.broadcast %max3A_60 : f32 to vector<512x1024xf32>
    %max3A_62 = arith.maximumf %add3A_59, %max3A_61 : vector<512x1024xf32>
    %get3A_63 = arith.constant 0 : index
    %get3A_64 = arith.constant 0 : index
    %get3A_65 = vector.load %arg12[%get3A_63, %get3A_64] : memref<1024x1024xbf16, #tpu.memory_space<vmem>>, vector<1024x1024xbf16>
    %dot_general3A_66 = arith.constant dense<0.000000e+00> : vector<512x1024xf32>
    %dot_general3A_67 = tpu.matmul %max3A_62, %get3A_65, %dot_general3A_66 {dimension_numbers = #tpu.dot_dimension_numbers<[1], [0], [0], [1], [0, 0, 1, 1], [], []>, transpose_lhs_hint = false} : vector<512x1024xf32>, vector<1024x1024xbf16>, vector<512x1024xf32> -> vector<512x1024xf32>
    %get3A_68 = arith.constant 0 : index
    %get3A_69 = arith.constant 0 : index
    %get3A_70 = vector.load %arg13[%get3A_68, %get3A_69] : memref<1x1024xf32, #tpu.memory_space<vmem>>, vector<1x1024xf32>
    %add3A_71 = vector.broadcast %get3A_70 : vector<1x1024xf32> to vector<512x1024xf32>
    %add3A_72 = arith.addf %dot_general3A_67, %add3A_71 : vector<512x1024xf32>
    %max3A_73 = arith.constant 0.000000e+00 : f32
    %max3A_74 = vector.broadcast %max3A_73 : f32 to vector<512x1024xf32>
    %max3A_75 = arith.maximumf %add3A_72, %max3A_74 : vector<512x1024xf32>
    %get3A_76 = arith.constant 0 : index
    %get3A_77 = arith.constant 0 : index
    %get3A_78 = vector.load %arg14[%get3A_76, %get3A_77] : memref<1024x512xbf16, #tpu.memory_space<vmem>>, vector<1024x512xbf16>
    %dot_general3A_79 = arith.constant dense<0.000000e+00> : vector<512x512xf32>
    %dot_general3A_80 = tpu.matmul %max3A_75, %get3A_78, %dot_general3A_79 {dimension_numbers = #tpu.dot_dimension_numbers<[1], [0], [0], [1], [0, 0, 1, 1], [], []>, transpose_lhs_hint = false} : vector<512x1024xf32>, vector<1024x512xbf16>, vector<512x512xf32> -> vector<512x512xf32>
    %get3A_81 = arith.constant 0 : index
    %get3A_82 = arith.constant 0 : index
    %get3A_83 = vector.load %arg15[%get3A_81, %get3A_82] : memref<1x512xf32, #tpu.memory_space<vmem>>, vector<1x512xf32>
    %add3A_84 = vector.broadcast %get3A_83 : vector<1x512xf32> to vector<512x512xf32>
    %add3A_85 = arith.addf %dot_general3A_80, %add3A_84 : vector<512x512xf32>
    %max3A_86 = arith.constant 0.000000e+00 : f32
    %max3A_87 = vector.broadcast %max3A_86 : f32 to vector<512x512xf32>
    %max3A_88 = arith.maximumf %add3A_85, %max3A_87 : vector<512x512xf32>
    %get3A_89 = arith.constant 0 : index
    %get3A_90 = arith.constant 0 : index
    %get3A_91 = vector.load %arg16[%get3A_89, %get3A_90] : memref<512x256xbf16, #tpu.memory_space<vmem>>, vector<512x256xbf16>
    %dot_general3A_92 = arith.constant dense<0.000000e+00> : vector<512x256xf32>
    %dot_general3A_93 = tpu.matmul %max3A_88, %get3A_91, %dot_general3A_92 {dimension_numbers = #tpu.dot_dimension_numbers<[1], [0], [0], [1], [0, 0, 1, 1], [], []>, transpose_lhs_hint = false} : vector<512x512xf32>, vector<512x256xbf16>, vector<512x256xf32> -> vector<512x256xf32>
    %get3A_94 = arith.constant 0 : index
    %get3A_95 = arith.constant 0 : index
    %get3A_96 = vector.load %arg17[%get3A_94, %get3A_95] : memref<1x256xf32, #tpu.memory_space<vmem>>, vector<1x256xf32>
    %add3A_97 = vector.broadcast %get3A_96 : vector<1x256xf32> to vector<512x256xf32>
    %add3A_98 = arith.addf %dot_general3A_93, %add3A_97 : vector<512x256xf32>
    %max3A_99 = arith.constant 0.000000e+00 : f32
    %max3A_100 = vector.broadcast %max3A_99 : f32 to vector<512x256xf32>
    %max3A_101 = arith.maximumf %add3A_98, %max3A_100 : vector<512x256xf32>
    %get3A_102 = arith.constant 0 : index
    %get3A_103 = arith.constant 0 : index
    %get3A_104 = vector.load %arg18[%get3A_102, %get3A_103] : memref<256x1xbf16, #tpu.memory_space<vmem>>, vector<256x1xbf16>
    %dot_general3A_105 = arith.constant dense<0.000000e+00> : vector<512x1xf32>
    %dot_general3A_106 = tpu.matmul %max3A_101, %get3A_104, %dot_general3A_105 {dimension_numbers = #tpu.dot_dimension_numbers<[1], [0], [0], [1], [0, 0, 1, 1], [], []>, transpose_lhs_hint = false} : vector<512x256xf32>, vector<256x1xbf16>, vector<512x1xf32> -> vector<512x1xf32>
    %get3A_107 = arith.constant 0 : index
    %get3A_108 = arith.constant 0 : index
    %get3A_109 = vector.load %arg19[%get3A_107, %get3A_108] : memref<1x1xf32, #tpu.memory_space<vmem>>, vector<1x1xf32>
    %add3A_110 = vector.broadcast %get3A_109 : vector<1x1xf32> to vector<512x1xf32>
    %add3A_111 = arith.addf %dot_general3A_106, %add3A_110 : vector<512x1xf32>
    %swap3A = arith.constant 0 : index
    %swap3A_112 = arith.constant 0 : index
    %swap3A_113 = vector.load %arg20[%swap3A, %swap3A_112] : memref<512x1xf32, #tpu.memory_space<vmem>>, vector<512x1xf32>
    tpu.vector_store %arg20[%swap3A, %swap3A_112], %add3A_111 {strides = array<i32>} : memref<512x1xf32, #tpu.memory_space<vmem>>, vector<512x1xf32>,
    return
  }
  func.func @transform_0(%arg0: i32) -> (i32, i32) {
    %c0_i32 = arith.constant 0 : i32
    %c0_i32_0 = arith.constant 0 : i32
    return %arg0, %c0_i32 : i32, i32
  }
  func.func @transform_1(%arg0: i32) -> (i32, i32) {
    %c0_i32 = arith.constant 0 : i32
    %c0_i32_0 = arith.constant 0 : i32
    return %arg0, %c0_i32 : i32, i32
  }
  func.func @transform_2(%arg0: i32) -> (i32, i32) {
    %c0_i32 = arith.constant 0 : i32
    %c0_i32_0 = arith.constant 0 : i32
    %c0_i32_1 = arith.constant 0 : i32
    return %c0_i32, %c0_i32_0 : i32, i32
  }
  func.func @transform_3(%arg0: i32) -> (i32, i32) {
    %c0_i32 = arith.constant 0 : i32
    %c0_i32_0 = arith.constant 0 : i32
    %c0_i32_1 = arith.constant 0 : i32
    return %c0_i32, %c0_i32_0 : i32, i32
  }
  func.func @transform_4(%arg0: i32) -> (i32, i32) {
    %c0_i32 = arith.constant 0 : i32
    %c0_i32_0 = arith.constant 0 : i32
    %c0_i32_1 = arith.constant 0 : i32
    return %c0_i32, %c0_i32_0 : i32, i32
  }
  func.func @transform_5(%arg0: i32) -> (i32, i32) {
    %c0_i32 = arith.constant 0 : i32
    %c0_i32_0 = arith.constant 0 : i32
    %c0_i32_1 = arith.constant 0 : i32
    return %c0_i32, %c0_i32_0 : i32, i32
  }
  func.func @transform_6(%arg0: i32) -> (i32, i32) {
    %c0_i32 = arith.constant 0 : i32
    %c0_i32_0 = arith.constant 0 : i32
    %c0_i32_1 = arith.constant 0 : i32
    return %c0_i32, %c0_i32_0 : i32, i32
  }
  func.func @transform_7(%arg0: i32) -> (i32, i32) {
    %c0_i32 = arith.constant 0 : i32
    %c0_i32_0 = arith.constant 0 : i32
    %c0_i32_1 = arith.constant 0 : i32
    return %c0_i32, %c0_i32_0 : i32, i32
  }
  func.func @transform_8(%arg0: i32) -> (i32, i32) {
    %c0_i32 = arith.constant 0 : i32
    %c0_i32_0 = arith.constant 0 : i32
    %c0_i32_1 = arith.constant 0 : i32
    return %c0_i32, %c0_i32_0 : i32, i32
  }
  func.func @transform_9(%arg0: i32) -> (i32, i32) {
    %c0_i32 = arith.constant 0 : i32
    %c0_i32_0 = arith.constant 0 : i32
    %c0_i32_1 = arith.constant 0 : i32
    return %c0_i32, %c0_i32_0 : i32, i32
  }
  func.func @transform_10(%arg0: i32) -> (i32, i32) {
    %c0_i32 = arith.constant 0 : i32
    %c0_i32_0 = arith.constant 0 : i32
    %c0_i32_1 = arith.constant 0 : i32
    return %c0_i32, %c0_i32_0 : i32, i32
  }
  func.func @transform_11(%arg0: i32) -> (i32, i32) {
    %c0_i32 = arith.constant 0 : i32
    %c0_i32_0 = arith.constant 0 : i32
    %c0_i32_1 = arith.constant 0 : i32
    return %c0_i32, %c0_i32_0 : i32, i32
  }
  func.func @transform_12(%arg0: i32) -> (i32, i32) {
    %c0_i32 = arith.constant 0 : i32
    %c0_i32_0 = arith.constant 0 : i32
    %c0_i32_1 = arith.constant 0 : i32
    return %c0_i32, %c0_i32_0 : i32, i32
  }
  func.func @transform_13(%arg0: i32) -> (i32, i32) {
    %c0_i32 = arith.constant 0 : i32
    %c0_i32_0 = arith.constant 0 : i32
    %c0_i32_1 = arith.constant 0 : i32
    return %c0_i32, %c0_i32_0 : i32, i32
  }
  func.func @transform_14(%arg0: i32) -> (i32, i32) {
    %c0_i32 = arith.constant 0 : i32
    %c0_i32_0 = arith.constant 0 : i32
    %c0_i32_1 = arith.constant 0 : i32
    return %c0_i32, %c0_i32_0 : i32, i32
  }
  func.func @transform_15(%arg0: i32) -> (i32, i32) {
    %c0_i32 = arith.constant 0 : i32
    %c0_i32_0 = arith.constant 0 : i32
    %c0_i32_1 = arith.constant 0 : i32
    return %c0_i32, %c0_i32_0 : i32, i32
  }
  func.func @transform_16(%arg0: i32) -> (i32, i32) {
    %c0_i32 = arith.constant 0 : i32
    %c0_i32_0 = arith.constant 0 : i32
    %c0_i32_1 = arith.constant 0 : i32
    return %c0_i32, %c0_i32_0 : i32, i32
  }
  func.func @transform_17(%arg0: i32) -> (i32, i32) {
    %c0_i32 = arith.constant 0 : i32
    %c0_i32_0 = arith.constant 0 : i32
    %c0_i32_1 = arith.constant 0 : i32
    return %c0_i32, %c0_i32_0 : i32, i32
  }
  func.func @transform_18(%arg0: i32) -> (i32, i32) {
    %c0_i32 = arith.constant 0 : i32
    %c0_i32_0 = arith.constant 0 : i32
    %c0_i32_1 = arith.constant 0 : i32
    return %c0_i32, %c0_i32_0 : i32, i32
  }
  func.func @transform_19(%arg0: i32) -> (i32, i32) {
    %c0_i32 = arith.constant 0 : i32
    %c0_i32_0 = arith.constant 0 : i32
    return %arg0, %c0_i32 : i32, i32
  }
}

</mosaic_0001>

<sc_bundles>
// kernel: kernel.10.cloned.1.call-start
scs
__scs_entry_jumppad:
0x0: {  	(pc) =	sbr.rel $0x88, $3  }
0x1: {  	(tag) =	ssettag $0x0;
	lr =	simm.s32 $0x1  }
0x2: {  	[smem:$0x3F8F] =	sst lr;
	_ =	strace $0xD0000000  }
0x3: {  	_ = 	snop  }
0x4: {  	_ = 	snop  }
0x5: {  	_ = 	snop  }
0x6: {  	_ = 	snop  }
0x7: {  	_ = 	snop  }
__scs_overlays_trampoline_lowered:
0x8: {  	[smem:$0x3F9E] =	sst s0  }
0x9: {  	[smem:$0x3F9F] =	sst s1  }
0xa: {  	[smem:$0x3FA0] =	sst s2  }
0xb: {  	[smem:$0x3FA1] =	sst s3  }
0xc: {  	[smem:$0x3FA2] =	sst s4  }
0xd: {  	[smem:$0x3FA3] =	sst s5  }
0xe: {  	[smem:$0x3FA4] =	sst s6  }
0xf: {  	[smem:$0x3FA5] =	sst s7  }
0x10: {  	[smem:$0x3FA6] =	sst s8  }
0x11: {  	[smem:$0x3FA7] =	sst s9;
	s0 =	simm.s32 @!p0 $0x0  }
0x12: {  	s1 =	sld [smem:$0x3F8D];
	s0 =	simm.s32 @p0 $0x1  }
0x13: {  	[smem:$0x3FA8] =	sst s0;
	s0 =	simm.s32 @!p1 $0x0  }
0x14: {  	s2 =	sld [smem:$0x3F8C];
	s0 =	simm.s32 @p1 $0x1  }
0x15: {  	[smem:$0x3FA9] =	sst s0;
	s0 =	simm.s32 @!p2 $0x0  }
0x16: {  	s3 =	sld [smem:$0x3FDB];
	s0 =	simm.s32 @p2 $0x1  }
0x17: {  	s4 =	simm.s32 $0x1BF5;
	[smem:$0x3FAB] =	sst s0  }
0x18: {  	s0 =	sld [smem:$0x3F8E];
	_ =	swait.ge [sflag:s4], $0x0  }
0x19: {  	s7 =	sld [smem:$0x3F8F]  }
0x1a: {  	s8 =	sadd.s32 $0xFFFFE003, lr  }
0x1b: {  	s9 =	sadd.s32 $0xFFFFFEF7, lr;
	s5 =	simm.s32 $0xFFFFFFFF;
	p2 =	slt.u32 s8, $0xFFFFF086  }
0x1c: {  	p1 =	slt.u32 s9, $0xF7A;
	s5 =	simm.s32 @!p2 $0x0  }
0x1d: {  	s5 =	simm.s32 @p1 $0x1;
	p0 =	seq.s32 s7, s2  }
0x1e: {  	s7 =	smul.u32 @!p0 $0xF7A, s2;
	p2 =	seq.s32 @!p0 s5, $0x0  }
0x1f: {  	s9 =	smul.u32 $0xF7A, s1;
	s8 =	simm.s32 @!p0 $0x1BF5;
	p2 =	por !p2, p0  }
0x20: {  	[sflag:s8] =	ssyncset.s32 @!p0 $0xFFFFF086;
	s6 =	sadd.s32 @!p0 s3, s7;
	s7 =	simm.s32 @!p0 $0x108  }
0x21: {  	s3 =	sadd.s32 s3, s9;
	s6 =	sadd.s32 @!p0 $0x88, s6;
	s7 =	simm.s32 @p2 $0x1082  }
0x22: {  	[simem:s7], [sflag:s8] =	dma.local @!p0 [hbm:s6], $0xF7A  }
0x23: {  	s9 =	sor.u32 $0xD0000000, s2;
	s6 =	simm.s32 $0x108;
	_ =	swait.ge @!p0 [sflag:s8], $0x0  }
0x24: {  	s3 =	sadd.s32 $0x88, s3;
	s6 =	simm.s32 @!p1 $0x1082;
	[sflag:s4] =	ssyncset.s32 $0xFFFFF086  }
0x25: {  	[simem:s6], [sflag:s4] =	dma.local [hbm:s3], $0xF7A  }
0x26: {  	[smem:$0x3F8F] =	sst s1;
	(tag) =	ssettag s2;
	_ =	strace s9  }
0x27: {  	s1 =	sld [smem:$0x3F9F]  }
0x28: {  	s2 =	sld [smem:$0x3FA0]  }
0x29: {  	s4 =	sld [smem:$0x3FA2]  }
0x2a: {  	p0 =	seq.s32 s5, $0x0;
	s5 =	sld [smem:$0x3FA3]  }
0x2b: {  	s6 =	sld [smem:$0x3FA4]  }
0x2c: {  	s7 =	sld [smem:$0x3FA5]  }
0x2d: {  	s3 =	simm.s32 $0x108;
	s8 =	sld [smem:$0x3FA6]  }
0x2e: {  	s3 =	simm.s32 @!p0 $0x1082;
	s9 =	sld [smem:$0x3FA7]  }
0x2f: {  	lr =	sadd.s32 s0, s3;
	s0 =	sld [smem:$0x3F9E]  }
0x30: {  	s3 =	sld [smem:$0x3FA1]  }
0x31: {  	[smem:$0x3FAA] =	sst s10  }
0x32: {  	s10 =	sld [smem:$0x3FA8];
	_ =	sdelay $0x3  }
0x33: {  	p0 =	seq.s32 s10, $0x1;
	s10 =	sld [smem:$0x3FAA];
	_ =	sdelay $0x3  }
0x34: {  	[smem:$0x3FAA] =	sst s10  }
0x35: {  	s10 =	sld [smem:$0x3FA9];
	_ =	sdelay $0x3  }
0x36: {  	p1 =	seq.s32 s10, $0x1;
	s10 =	sld [smem:$0x3FAA];
	_ =	sdelay $0x3  }
0x37: {  	[smem:$0x3FAA] =	sst s10  }
0x38: {  	s10 =	sld [smem:$0x3FAB]  }
0x39: {  	_ = 	snop;
	(pc) =	sbr.ind lr, $3  }
0x3a: {  	_ = 	snop  }
0x3b: {  	_ = 	snop  }
0x3c: {  	p2 =	seq.s32 s10, $0x1;
	s10 =	sld [smem:$0x3FAA]  }
0x3d: {  	_ =	shalt  }
0x3e: {  	_ =	shalt  }
0x3f: {  	_ =	shalt  }
0x40: {  	_ =	shalt  }
0x41: {  	_ =	shalt  }
0x42: {  	_ =	shalt  }
0x43: {  	_ =	shalt  }
0x44: {  	_ =	shalt  }
0x45: {  	_ =	shalt  }
0x46: {  	_ =	shalt  }
0x47: {  	_ =	shalt  }
0x48: {  	_ =	shalt  }
0x49: {  	_ =	shalt  }
0x4a: {  	_ =	shalt  }
0x4b: {  	_ =	shalt  }
0x4c: {  	_ =	shalt  }
0x4d: {  	_ =	shalt  }
0x4e: {  	_ =	shalt  }
0x4f: {  	_ =	shalt  }
0x50: {  	_ =	shalt  }
0x51: {  	_ =	shalt  }
0x52: {  	_ =	shalt  }
0x53: {  	_ =	shalt  }
0x54: {  	_ =	shalt  }
0x55: {  	_ =	shalt  }
0x56: {  	_ =	shalt  }
0x57: {  	_ =	shalt  }
0x58: {  	_ =	shalt  }
0x59: {  	_ =	shalt  }
0x5a: {  	_ =	shalt  }
0x5b: {  	_ =	shalt  }
0x5c: {  	_ =	shalt  }
0x5d: {  	_ =	shalt  }
0x5e: {  	_ =	shalt  }
0x5f: {  	_ =	shalt  }
0x60: {  	_ =	shalt  }
0x61: {  	_ =	shalt  }
0x62: {  	_ =	shalt  }
0x63: {  	_ =	shalt  }
0x64: {  	_ =	shalt  }
0x65: {  	_ =	shalt  }
0x66: {  	_ =	shalt  }
0x67: {  	_ =	shalt  }
0x68: {  	_ =	shalt  }
0x69: {  	_ =	shalt  }
0x6a: {  	_ =	shalt  }
0x6b: {  	_ =	shalt  }
0x6c: {  	_ =	shalt  }
0x6d: {  	_ =	shalt  }
0x6e: {  	_ =	shalt  }
0x6f: {  	_ =	shalt  }
0x70: {  	_ =	shalt  }
0x71: {  	_ =	shalt  }
0x72: {  	_ =	shalt  }
0x73: {  	_ =	shalt  }
0x74: {  	_ =	shalt  }
0x75: {  	_ =	shalt  }
0x76: {  	_ =	shalt  }
0x77: {  	_ =	shalt  }
0x78: {  	_ =	shalt  }
0x79: {  	_ =	shalt  }
0x7a: {  	_ =	shalt  }
0x7b: {  	_ =	shalt  }
0x7c: {  	_ =	shalt  }
0x7d: {  	_ =	shalt  }
0x7e: {  	_ =	shalt  }
0x7f: {  	_ =	shalt  }
0x80: {  	_ =	shalt  }
0x81: {  	_ =	shalt  }
0x82: {  	_ =	shalt  }
0x83: {  	_ =	shalt  }
0x84: {  	_ =	shalt  }
0x85: {  	_ =	shalt  }
0x86: {  	_ =	shalt  }
0x87: {  	_ =	shalt  }
.Lfunc_end0:
.L_simem_size_0:
called_computation_lowered:
.L_overlay_start_0:
0x88: {  	s2 =	sld [smem:$0x3FD9]  }
0x89: {  	s3 =	sld [smem:$0x3FFE];
	_ =	sdelay $0x1  }
0x8a: {  	s1 =	srdreg.scid  }
0x8b: {  	s0 =	sand.u32 $0x1, s1  }
0x8c: {  	s17 =	sshll.u32 s0, $0xA;
	s2 =	sadd.s32 s3, s2  }
0x8d: {  	s2 =	sadd.s32 s2, s17  }
0x8e: {  	[smem:$0x3FB6] =	sst s2  }
0x8f: {  	_ = 	snop  }
0x90: {  	s18 =	sld [smem:$0x3FC8];
	(tm) =	ssettm $0x1  }
0x91: {  	s19 =	sld [smem:$0x3FFB];
	_ =	sdelay $0x3  }
0x92: {  	_ =	strace s19  }
0x93: {  	s2 =	sld [smem:$0x3FFC];
	_ =	sdelay $0x3  }
0x94: {  	_ =	strace s2  }
0x95: {  	s2 =	sld [smem:$0x3FFD];
	_ =	sdelay $0x3  }
0x96: {  	_ =	strace s2  }
0x97: {  	_ =	strace $0x8FFFFFFF  }
0x98: {  	s20 =	sld [smem:$0x3FDB];
	_ =	sdelay $0x1  }
0x99: {  	s4 =	simm.s32 $_scs_section_size  }
0x9a: {  	s5 =	simm.s32 $_size__tile_overlayer_lowered;
	s6 =	simm.s32 $_tile_overlayer_lowered  }
0x9b: {  	s7 =	simm.s32 $0x1BFF;
	s21 =	sshll.u32 s6, $0x1;
	s4 =	sadd.s32 s4, s20  }
0x9c: {  	s22 =	simm.s32 $0x0;
	s5 =	sshll.u32 s5, $0x1;
	s6 =	sadd.s32 s21, s4  }
0x9d: {  	[timem:s22], [sflag:s7] =	dma.local [hbm:s6], s5  }
0x9e: {  	_ =	swait.ge [sflag:s7], s5  }
0x9f: {  	s5 =	ssub.s32 $0x0, s5;
	[sflag:s7] =	ssyncset.done $0x0  }
0xa0: {  	[sflag:s7] =	ssyncadd.s32 s5;
	_ =	sdelay $0x1  }
0xa1: {  	s23 =	simm.s32 $0x1B8B  }
0xa2: {  	_ =	swait.ge [sflag:s23], $0x1  }
0xa3: {  	[sflag:s23] =	ssyncset.done $0x0  }
0xa4: {  	[sflag:s23] =	ssyncadd.s32 $0xFFFFFFFF  }
0xa5: {  	s5 =	sld [smem:$0x0]  }
0xa6: {  	s6 =	sand.u32 $0xFFFFFFFE, s1  }
0xa7: {  	p0 =	sne.s32 s1, s6  }
0xa8: {  	s6 =	sshll.u32 @p0 s6, $0xE  }
0xa9: {  	s6 =	sadd.s32 @p0 $0x11B8D, s6;
	s7 =	sshll.u32 @p0 s5, $0x11  }
0xaa: {  	s6 =	sor.u32 @p0 s7, s6  }
0xab: {  	[sflag:s6] =	ssyncadd.remote.s32 @p0 $0x1;
	_ =	sdelay $0x1  }
0xac: {  	s6 =	simm.s32 @p0 $0x1B8D  }
0xad: {  	_ =	swait.eq @p0 [sflag:s6], $0x1  }
0xae: {  	[sflag:s6] =	ssyncadd.s32 @p0 $0xFFFFFFFF  }
0xaf: {  	s7 =	sshll.u32 @!p0 s1, $0xE  }
0xb0: {  	s7 =	sor.u32 @!p0 $0x4000, s7;
	s6 =	simm.s32 @!p0 $0x1B8D  }
0xb1: {  	s5 =	sshll.u32 @!p0 s5, $0x11;
	s7 =	sadd.s32 @!p0 $0x11B8D, s7;
	_ =	swait.eq @!p0 [sflag:s6], $0x1  }
0xb2: {  	s5 =	sor.u32 @!p0 s5, s7;
	[sflag:s6] =	ssyncadd.s32 @!p0 $0xFFFFFFFF  }
0xb3: {  	s25 =	simm.s32 $0x1B8E;
	s24 =	sld [smem:$0x3FFE];
	[sflag:s5] =	ssyncadd.remote.s32 @!p0 $0x1  }
0xb4: {  	s26 =	simm.s32 $execute0_lowered;
	[smem:$0x3FD2] =	sst s25  }
0xb5: {  	s6 =	sshll.u32 s26, $0x1;
	_ =	strace $0x8000004F;
	[dreg:$0x1] =	wrdreg $0xFFFFFFFF  }
0xb6: {  	s28 =	simm.s32 $_size_execute0_lowered;
	s4 =	sadd.s32 s4, s6;
	[dreg:$0x0] =	wrdreg $0x0  }
0xb7: {  	s6 =	sshll.u32 s28, $0x1;
	[dreg:$0x2] =	wrdreg s4  }
0xb8: {  	[dreg:$0x3] =	wrdreg s6  }
0xb9: {  	[dreg:$0x4] =	wrdreg $0xC0  }
0xba: {  	_ =	task [dreg:s22], $0x5FFFF  }
0xbb: {  	[dreg:$0x1] =	wrdreg $0xFFFFFFFF  }
0xbc: {  	[dreg:$0x0] =	wrdreg $0x60  }
0xbd: {  	[dreg:$0x2] =	wrdreg s24  }
0xbe: {  	[dreg:$0x3] =	wrdreg s18  }
0xbf: {  	[dreg:$0x4] =	wrdreg $0x9  }
0xc0: {  	_ =	task.clear_ibuf [dreg:s22], $0x5FFFF;
	_ =	strace $0x9000004F  }
0xc1: {  	s29 =	simm.s32 $0x9;
	_ =	strace $0x80000051  }
0xc2: {  	_ =	swait.ge [sflag:s29], $0x1  }
0xc3: {  	[sflag:s29] =	ssyncadd.s32 $0xFFFFFFFF  }
0xc4: {  	_ =	strace $0x90000051  }
0xc5: {  	_ =	sfence  }
0xc6: {  	s30 =	sld [smem:$0x0];
	_ =	sdelay $0x2  }
0xc7: {  	s31 =	sshll.u32 s1, $0xD;
	s1 =	sshrl.u32 s1, $0x2  }
0xc8: {  	s4 =	sand.u32 $0x4000, s31;
	s1 =	sadd.s32 s1, s30  }
0xc9: {  	s0 =	sor.u32 s4, s0;
	s1 =	sshll.u32 s1, $0x11  }
0xca: {  	s0 =	sor.u32 s1, s0  }
0xcb: {  	s0 =	sadd.s32 $0x8F2B, s0  }
0xcc: {  	[sflag:s0] =	ssyncadd.remote.s32 $0x1  }
0xcd: {  	_ =	sfence.sel $0xFFFF  }
0xce: {  	[dreg:$0x0] =	wrdreg $0xFFFFFFFF;
	(pc) =	sbr.abs _section_cstart, $3  }
0xcf: {  	[dreg:$0x1] =	wrdreg $0xFFFFFFFF  }
0xd0: {  	_ =	task.clear_ibuf [dreg:s22], $0x2FFFF;
	_ =	strace $0x9FFFFFFF  }
0xd1: {  	(tm) =	ssettm $0x7FFFFFFF  }
tec
execute0_lowered:
.L_overlay_start_1:
0x0: {  	(tag) =	ssettag $0x1  }
0x1: {  	s1 =	srdreg.scid  }
0x2: {  	s0 =	stileid.u32;
	s4 =	rddreg [dreg:$0x0]  }
0x3: {  	s2 =	rddreg [dreg:$0x1];
	s3 =	simm.s32 $0x0;
	s14 =	simm.s32 $0x5  }
0x4: {  	s15 =	simm.s32 $0x80;
	s16 =	simm.s32 $0x1000;
	s17 =	simm.s32 $0x5000  }
0x5: {  	s18 =	simm.s32 $0x1;
	s19 =	simm.s32 $0x2;
	s20 =	simm.s32 $0x3  }
0x6: {  	s21 =	simm.s32 $0x4;
	s9 =	sand.u32 $0x1, s1;
	s1 =	rddreg [dreg:$0x2]  }
0x7: {  	s22 =	simm.s32 $0x0;
	s28 =	sshll.u32 s0, $0x1;
	[smem:$0x7FF] =	sst s3  }
0x8: {  	s11 =	smul.u32 $0xD0000, s0;
	s30 =	sshll.u32 s0, $0x9;
	s5 =	sor.u32 s9, s28  }
0x9: {  	_ =	strace $0x80000050;
	s7 =	ssub.s32 $0x2, s9;
	s12 =	smul.u32 $0x68000, s9  }
0xa: {  	s13 =	sshll.u32 s9, $0x8;
	s6 =	smul.u32 $0x1A0, s5;
	s8 =	sshrl.u32 s7, $0x1  }
0xb: {  	s10 =	smul.u32 $0x68000, s5;
	s29 =	sshll.u32 s5, $0x8;
	s7 =	ssub.s32 s7, s8  }
0xc: {  	s11 =	sadd.s32 s12, s11;
	s12 =	sor.u32 s13, s30;
	s6 =	sand.u32 $0x3F80, s6  }
0xd: {  	s7 =	smax.u32 s7, $0x1;
	s10 =	sshrl.u32 s10, $0x3;
	s31 =	sadd.s32 $0xC000, s11  }
0xe: {  	s12 =	sand.u32 $0x300, s12;
	s11 =	sadd.s32 $0x8000, s11;
	s6 =	sadd.s32 s6, s4  }
0xf: {  	s4 =	sadd.s32 $0x4FDC00, s4;
	s13 =	sshrl.u32 s31, $0x3;
	s12 =	sadd.s32 $0x180, s12  }
0x10: {  	s5 =	sadd.s32 $0x4000, s6;
	s6 =	sand.u32 $0x300, s29;
	s9 =	sadd.s32 s4, s10  }
0x11: {  	s13 =	sadd.s32 s13, s4;
	s8 =	sor.u32 $0x80, s6;
	s10 =	sadd.s32 $0x800, s9  }
.LBB2_1:
0x12: {  	[tilespmem:s3], [sflag:$0x5] =	stream.linear.gather [hbm4b:s5+s3], $0x1000, $0x38;
	[tilespmem:$0x9000] =	vst v63  }
0x13: {  	_ =	swait.ge [sflag:s14], $0x1000  }
0x14: {  	[sflag:s14] =	ssyncset.done $0x0  }
0x15: {  	[sflag:s14] =	ssyncadd.s32 $0xFFFFF000  }
0x16: {  	[tilespmem:s16], [sflag:$0x1] =	stream.indirect.gather [hbm4b:s2+s15], $0x80, s6, s15, $0xb8;
	[tilespmem:$0x9000] =	vst v63  }
0x17: {  	_ = 	snop  }
0x18: {  	[tilespmem:s17], [sflag:$0x2] =	stream.indirect.gather [hbm4b:s2+s15], $0x80, s8, s15, $0xb8;
	[tilespmem:$0x9000] =	vst v63  }
0x19: {  	_ =	swait.ge [sflag:s18], $0x4000  }
0x1a: {  	[sflag:s18] =	ssyncset.done $0x0  }
0x1b: {  	[sflag:s18] =	ssyncadd.s32 $0xFFFFC000  }
0x1c: {  	[hbm4b:s9+s3] =	stream.linear.scatter [tilespmem:s16], [sflag:$0x3], $0x4000, $0x38;
	[tilespmem:$0x9000] =	vst v63  }
0x1d: {  	_ =	swait.ge [sflag:s19], $0x4000  }
0x1e: {  	[sflag:s19] =	ssyncset.done $0x0  }
0x1f: {  	[sflag:s19] =	ssyncadd.s32 $0xFFFFC000  }
0x20: {  	[hbm4b:s10+s3] =	stream.linear.scatter [tilespmem:s17], [sflag:$0x4], $0x4000, $0x38;
	[tilespmem:$0x9000] =	vst v63  }
0x21: {  	_ =	swait.ge [sflag:s20], $0x4000  }
0x22: {  	[sflag:s20] =	ssyncset.done $0x0  }
0x23: {  	s23 =	sadd.s32 $0xFFFFFF80, s12;
	[sflag:s20] =	ssyncadd.s32 $0xFFFFC000  }
0x24: {  	[tilespmem:s16], [sflag:$0x1] =	stream.indirect.gather [hbm4b:s2+s15], $0x80, s23, s15, $0xb8;
	[tilespmem:$0x9000] =	vst v63  }
0x25: {  	_ =	swait.ge [sflag:s21], $0x4000  }
0x26: {  	[sflag:s21] =	ssyncset.done $0x0  }
0x27: {  	[sflag:s21] =	ssyncadd.s32 $0xFFFFC000  }
0x28: {  	[tilespmem:s17], [sflag:$0x2] =	stream.indirect.gather [hbm4b:s2+s15], $0x80, s12, s15, $0xb8;
	[tilespmem:$0x9000] =	vst v63  }
0x29: {  	_ =	swait.ge [sflag:s18], $0x4000  }
0x2a: {  	s31 =	sshrl.u32 s11, $0x3;
	[sflag:s18] =	ssyncset.done $0x0  }
0x2b: {  	s23 =	sadd.s32 s4, s31;
	[sflag:s18] =	ssyncadd.s32 $0xFFFFC000  }
0x2c: {  	[hbm4b:s23+s3] =	stream.linear.scatter [tilespmem:s16], [sflag:$0x3], $0x4000, $0x38;
	[tilespmem:$0x9000] =	vst v63  }
0x2d: {  	_ =	swait.ge [sflag:s19], $0x4000  }
0x2e: {  	s24 =	sadd.s32 $0x100, s12;
	s26 =	sadd.s32 $0x0, s13;
	[sflag:s19] =	ssyncset.done $0x0  }
0x2f: {  	s25 =	sadd.s32 $0x8000, s11;
	s23 =	simm.s32 $0x1000;
	[sflag:s19] =	ssyncadd.s32 $0xFFFFC000  }
.LBB2_2:
0x30: {  	[hbm4b:s26+s3] =	stream.linear.scatter [tilespmem:s17], [sflag:$0x4], $0x4000, $0x38;
	[tilespmem:$0x9000] =	vst v63  }
0x31: {  	s26 =	smov.u32 s23  }
0x32: {  	p0 =	sne.s32 s23, $0xB000;
	s23 =	sadd.s32 $0x1000, s23;
	_ =	swait.ge [sflag:s20], $0x4000  }
0x33: {  	[sflag:s20] =	ssyncset.done $0x0  }
0x34: {  	s28 =	sadd.s32 $0xFFFFFF80, s24;
	[sflag:s20] =	ssyncadd.s32 $0xFFFFC000  }
0x35: {  	[tilespmem:s16], [sflag:$0x1] =	stream.indirect.gather [hbm4b:s2+s15], $0x80, s28, s15, $0xb8;
	[tilespmem:$0x9000] =	vst v63  }
0x36: {  	_ =	swait.ge [sflag:s21], $0x4000  }
0x37: {  	[sflag:s21] =	ssyncset.done $0x0  }
0x38: {  	[sflag:s21] =	ssyncadd.s32 $0xFFFFC000  }
0x39: {  	[tilespmem:s17], [sflag:$0x2] =	stream.indirect.gather [hbm4b:s2+s15], $0x80, s24, s15, $0xb8;
	[tilespmem:$0x9000] =	vst v63  }
0x3a: {  	_ =	swait.ge [sflag:s18], $0x4000  }
0x3b: {  	s28 =	sshrl.u32 s25, $0x3;
	[sflag:s18] =	ssyncset.done $0x0  }
.Ltmp0:
0x3c: {  	s28 =	sadd.s32 s4, s28;
	[sflag:s18] =	ssyncadd.s32 $0xFFFFC000;
	(pc) =	sbr.rel @p0 .LBB2_2-.Ltmp0, $4  }
0x3d: {  	[hbm4b:s28+s3] =	stream.linear.scatter [tilespmem:s16], [sflag:$0x3], $0x4000, $0x38;
	[tilespmem:$0x9000] =	vst v63  }
0x3e: {  	_ =	swait.ge [sflag:s19], $0x4000  }
0x3f: {  	s24 =	sadd.s32 $0x100, s24;
	[sflag:s19] =	ssyncset.done $0x0  }
0x40: {  	s26 =	sadd.s32 s26, s13;
	s25 =	sadd.s32 $0x8000, s25;
	[sflag:s19] =	ssyncadd.s32 $0xFFFFC000  }
0x41: {  	[hbm4b:s26+s3] =	stream.linear.scatter [tilespmem:s17], [sflag:$0x4], $0x4000, $0x38;
	[tilespmem:$0x9000] =	vst v63  }
0x42: {  	s22 =	sadd.s32 $0x1, s22  }
0x43: {  	_ =	swait.ge [sflag:s20], $0x4000;
	p0 =	sne.s32 s22, s7  }
.Ltmp1:
0x44: {  	[sflag:s20] =	ssyncset.done $0x0;
	(pc) =	sbr.rel @p0 .LBB2_1-.Ltmp1, $4  }
0x45: {  	[sflag:s20] =	ssyncadd.s32 $0xFFFFC000  }
0x46: {  	_ =	swait.ge [sflag:s21], $0x4000  }
0x47: {  	[sflag:s21] =	ssyncset.done $0x0  }
0x48: {  	[sflag:s21] =	ssyncadd.s32 $0xFFFFC000  }
0x49: {  	_ =	sfence.sel $0x180000  }
0x4a: {  	[bflag:$0x0] =	sbarrier.arrive $0xFFFF  }
0x4b: {  	p0 =	sne.s32 s0, $0x0;
	_ =	strace $0x90000050  }
0x4c: {  	s0 =	sadd.s32 @!p0 $0x100000, s1;
	[bflag:$0x2] =	sbarrier.arrive $0xFFFF  }
0x4d: {  	[sflag:s0] =	ssyncadd.tile.s32 @!p0 $0x1;
	_ =	shalt  }
.Lfunc_end2:
_tile_overlayer_lowered:
.L_overlay_start_2:
0x4e: {  	(tag) =	ssettag $0x2  }
0x4f: {  	s0 =	rddreg [dreg:$0x0];
	s2 =	stileid.u32  }
0x50: {  	s1 =	rddreg [dreg:$0x1];
	p0 =	sne.s32 s2, $0x0  }
0x51: {  	s3 =	rddreg [dreg:$0x2];
	[bflag:$0x3] =	sbarrier.arrive $0xFFFF;
	s2 =	simm.s32 @!p0 $0x1C05  }
0x52: {  	[timem:s3], [sflag:s2] =	dma.local @!p0 [hbm:s0], s1  }
0x53: {  	s0 =	simm.s32 @!p0 $0x5  }
0x54: {  	_ =	swait.ge @!p0 [sflag:s0], s1  }
0x55: {  	s1 =	ssub.s32 @!p0 $0x0, s1;
	[sflag:s0] =	ssyncset.done @!p0 $0x0  }
0x56: {  	[sflag:s0] =	ssyncadd.s32 @!p0 s1  }
0x57: {  	[bflag:$0x3] =	sbarrier.arrive $0xFFFF  }
0x58: {  	_ =	shalt  }

// kernel: kernel.13.cloned.1.call-start
scs
__scs_entry_jumppad:
0x0: {  	(pc) =	sbr.rel $0x88, $3  }
0x1: {  	(tag) =	ssettag $0x0;
	lr =	simm.s32 $0x1  }
0x2: {  	[smem:$0x3F8F] =	sst lr;
	_ =	strace $0xD0000000  }
0x3: {  	_ = 	snop  }
0x4: {  	_ = 	snop  }
0x5: {  	_ = 	snop  }
0x6: {  	_ = 	snop  }
0x7: {  	_ = 	snop  }
__scs_overlays_trampoline_lowered:
0x8: {  	[smem:$0x3F9E] =	sst s0  }
0x9: {  	[smem:$0x3F9F] =	sst s1  }
0xa: {  	[smem:$0x3FA0] =	sst s2  }
0xb: {  	[smem:$0x3FA1] =	sst s3  }
0xc: {  	[smem:$0x3FA2] =	sst s4  }
0xd: {  	[smem:$0x3FA3] =	sst s5  }
0xe: {  	[smem:$0x3FA4] =	sst s6  }
0xf: {  	[smem:$0x3FA5] =	sst s7  }
0x10: {  	[smem:$0x3FA6] =	sst s8  }
0x11: {  	[smem:$0x3FA7] =	sst s9;
	s0 =	simm.s32 @!p0 $0x0  }
0x12: {  	s1 =	sld [smem:$0x3F8D];
	s0 =	simm.s32 @p0 $0x1  }
0x13: {  	[smem:$0x3FA8] =	sst s0;
	s0 =	simm.s32 @!p1 $0x0  }
0x14: {  	s2 =	sld [smem:$0x3F8C];
	s0 =	simm.s32 @p1 $0x1  }
0x15: {  	[smem:$0x3FA9] =	sst s0;
	s0 =	simm.s32 @!p2 $0x0  }
0x16: {  	s3 =	sld [smem:$0x3FDB];
	s0 =	simm.s32 @p2 $0x1  }
0x17: {  	s4 =	simm.s32 $0x1BF5;
	[smem:$0x3FAB] =	sst s0  }
0x18: {  	s0 =	sld [smem:$0x3F8E];
	_ =	swait.ge [sflag:s4], $0x0  }
0x19: {  	s7 =	sld [smem:$0x3F8F]  }
0x1a: {  	s8 =	sadd.s32 $0xFFFFE003, lr  }
0x1b: {  	s9 =	sadd.s32 $0xFFFFFEF7, lr;
	s5 =	simm.s32 $0xFFFFFFFF;
	p2 =	slt.u32 s8, $0xFFFFF086  }
0x1c: {  	p1 =	slt.u32 s9, $0xF7A;
	s5 =	simm.s32 @!p2 $0x0  }
0x1d: {  	s5 =	simm.s32 @p1 $0x1;
	p0 =	seq.s32 s7, s2  }
0x1e: {  	s7 =	smul.u32 @!p0 $0xF7A, s2;
	p2 =	seq.s32 @!p0 s5, $0x0  }
0x1f: {  	s9 =	smul.u32 $0xF7A, s1;
	s8 =	simm.s32 @!p0 $0x1BF5;
	p2 =	por !p2, p0  }
0x20: {  	[sflag:s8] =	ssyncset.s32 @!p0 $0xFFFFF086;
	s6 =	sadd.s32 @!p0 s3, s7;
	s7 =	simm.s32 @!p0 $0x108  }
0x21: {  	s3 =	sadd.s32 s3, s9;
	s6 =	sadd.s32 @!p0 $0x88, s6;
	s7 =	simm.s32 @p2 $0x1082  }
0x22: {  	[simem:s7], [sflag:s8] =	dma.local @!p0 [hbm:s6], $0xF7A  }
0x23: {  	s9 =	sor.u32 $0xD0000000, s2;
	s6 =	simm.s32 $0x108;
	_ =	swait.ge @!p0 [sflag:s8], $0x0  }
0x24: {  	s3 =	sadd.s32 $0x88, s3;
	s6 =	simm.s32 @!p1 $0x1082;
	[sflag:s4] =	ssyncset.s32 $0xFFFFF086  }
0x25: {  	[simem:s6], [sflag:s4] =	dma.local [hbm:s3], $0xF7A  }
0x26: {  	[smem:$0x3F8F] =	sst s1;
	(tag) =	ssettag s2;
	_ =	strace s9  }
0x27: {  	s1 =	sld [smem:$0x3F9F]  }
0x28: {  	s2 =	sld [smem:$0x3FA0]  }
0x29: {  	s4 =	sld [smem:$0x3FA2]  }
0x2a: {  	p0 =	seq.s32 s5, $0x0;
	s5 =	sld [smem:$0x3FA3]  }
0x2b: {  	s6 =	sld [smem:$0x3FA4]  }
0x2c: {  	s7 =	sld [smem:$0x3FA5]  }
0x2d: {  	s3 =	simm.s32 $0x108;
	s8 =	sld [smem:$0x3FA6]  }
0x2e: {  	s3 =	simm.s32 @!p0 $0x1082;
	s9 =	sld [smem:$0x3FA7]  }
0x2f: {  	lr =	sadd.s32 s0, s3;
	s0 =	sld [smem:$0x3F9E]  }
0x30: {  	s3 =	sld [smem:$0x3FA1]  }
0x31: {  	[smem:$0x3FAA] =	sst s10  }
0x32: {  	s10 =	sld [smem:$0x3FA8];
	_ =	sdelay $0x3  }
0x33: {  	p0 =	seq.s32 s10, $0x1;
	s10 =	sld [smem:$0x3FAA];
	_ =	sdelay $0x3  }
0x34: {  	[smem:$0x3FAA] =	sst s10  }
0x35: {  	s10 =	sld [smem:$0x3FA9];
	_ =	sdelay $0x3  }
0x36: {  	p1 =	seq.s32 s10, $0x1;
	s10 =	sld [smem:$0x3FAA];
	_ =	sdelay $0x3  }
0x37: {  	[smem:$0x3FAA] =	sst s10  }
0x38: {  	s10 =	sld [smem:$0x3FAB]  }
0x39: {  	_ = 	snop;
	(pc) =	sbr.ind lr, $3  }
0x3a: {  	_ = 	snop  }
0x3b: {  	_ = 	snop  }
0x3c: {  	p2 =	seq.s32 s10, $0x1;
	s10 =	sld [smem:$0x3FAA]  }
0x3d: {  	_ =	shalt  }
0x3e: {  	_ =	shalt  }
0x3f: {  	_ =	shalt  }
0x40: {  	_ =	shalt  }
0x41: {  	_ =	shalt  }
0x42: {  	_ =	shalt  }
0x43: {  	_ =	shalt  }
0x44: {  	_ =	shalt  }
0x45: {  	_ =	shalt  }
0x46: {  	_ =	shalt  }
0x47: {  	_ =	shalt  }
0x48: {  	_ =	shalt  }
0x49: {  	_ =	shalt  }
0x4a: {  	_ =	shalt  }
0x4b: {  	_ =	shalt  }
0x4c: {  	_ =	shalt  }
0x4d: {  	_ =	shalt  }
0x4e: {  	_ =	shalt  }
0x4f: {  	_ =	shalt  }
0x50: {  	_ =	shalt  }
0x51: {  	_ =	shalt  }
0x52: {  	_ =	shalt  }
0x53: {  	_ =	shalt  }
0x54: {  	_ =	shalt  }
0x55: {  	_ =	shalt  }
0x56: {  	_ =	shalt  }
0x57: {  	_ =	shalt  }
0x58: {  	_ =	shalt  }
0x59: {  	_ =	shalt  }
0x5a: {  	_ =	shalt  }
0x5b: {  	_ =	shalt  }
0x5c: {  	_ =	shalt  }
0x5d: {  	_ =	shalt  }
0x5e: {  	_ =	shalt  }
0x5f: {  	_ =	shalt  }
0x60: {  	_ =	shalt  }
0x61: {  	_ =	shalt  }
0x62: {  	_ =	shalt  }
0x63: {  	_ =	shalt  }
0x64: {  	_ =	shalt  }
0x65: {  	_ =	shalt  }
0x66: {  	_ =	shalt  }
0x67: {  	_ =	shalt  }
0x68: {  	_ =	shalt  }
0x69: {  	_ =	shalt  }
0x6a: {  	_ =	shalt  }
0x6b: {  	_ =	shalt  }
0x6c: {  	_ =	shalt  }
0x6d: {  	_ =	shalt  }
0x6e: {  	_ =	shalt  }
0x6f: {  	_ =	shalt  }
0x70: {  	_ =	shalt  }
0x71: {  	_ =	shalt  }
0x72: {  	_ =	shalt  }
0x73: {  	_ =	shalt  }
0x74: {  	_ =	shalt  }
0x75: {  	_ =	shalt  }
0x76: {  	_ =	shalt  }
0x77: {  	_ =	shalt  }
0x78: {  	_ =	shalt  }
0x79: {  	_ =	shalt  }
0x7a: {  	_ =	shalt  }
0x7b: {  	_ =	shalt  }
0x7c: {  	_ =	shalt  }
0x7d: {  	_ =	shalt  }
0x7e: {  	_ =	shalt  }
0x7f: {  	_ =	shalt  }
0x80: {  	_ =	shalt  }
0x81: {  	_ =	shalt  }
0x82: {  	_ =	shalt  }
0x83: {  	_ =	shalt  }
0x84: {  	_ =	shalt  }
0x85: {  	_ =	shalt  }
0x86: {  	_ =	shalt  }
0x87: {  	_ =	shalt  }
.Lfunc_end0:
.L_simem_size_0:
called_computation.1_lowered:
.L_overlay_start_0:
0x88: {  	s2 =	sld [smem:$0x3FD9]  }
0x89: {  	s3 =	sld [smem:$0x3FFE];
	_ =	sdelay $0x1  }
0x8a: {  	s1 =	srdreg.scid  }
0x8b: {  	s0 =	sand.u32 $0x1, s1  }
0x8c: {  	s17 =	sshll.u32 s0, $0xA;
	s2 =	sadd.s32 s3, s2  }
0x8d: {  	s2 =	sadd.s32 s2, s17  }
0x8e: {  	[smem:$0x3FB6] =	sst s2  }
0x8f: {  	_ = 	snop  }
0x90: {  	s2 =	sld [smem:$0x3FC8];
	(tm) =	ssettm $0x1  }
0x91: {  	s18 =	sld [smem:$0x3FFB];
	_ =	sdelay $0x3  }
0x92: {  	_ =	strace s18  }
0x93: {  	s3 =	sld [smem:$0x3FFC];
	_ =	sdelay $0x3  }
0x94: {  	_ =	strace s3  }
0x95: {  	s3 =	sld [smem:$0x3FFD];
	_ =	sdelay $0x3  }
0x96: {  	_ =	strace s3  }
0x97: {  	_ =	strace $0x8FFFFFFF  }
0x98: {  	s19 =	sld [smem:$0x3FDB];
	_ =	sdelay $0x1  }
0x99: {  	s4 =	simm.s32 $_scs_section_size  }
0x9a: {  	s5 =	simm.s32 $_size__tile_overlayer_lowered;
	s6 =	simm.s32 $_tile_overlayer_lowered  }
0x9b: {  	s22 =	simm.s32 $0x1BFF;
	s21 =	sshll.u32 s6, $0x1;
	s3 =	sadd.s32 s4, s19  }
0x9c: {  	s7 =	simm.s32 $0x0;
	s20 =	sshll.u32 s5, $0x1;
	s5 =	sadd.s32 s21, s3  }
0x9d: {  	[timem:s7], [sflag:s22] =	dma.local [hbm:s5], s20  }
0x9e: {  	_ =	swait.ge [sflag:s22], s20  }
0x9f: {  	s4 =	ssub.s32 $0x0, s20;
	[sflag:s22] =	ssyncset.done $0x0  }
0xa0: {  	[sflag:s22] =	ssyncadd.s32 s4;
	_ =	sdelay $0x1  }
0xa1: {  	s23 =	simm.s32 $0x1B8B  }
0xa2: {  	_ =	swait.ge [sflag:s23], $0x1  }
0xa3: {  	[sflag:s23] =	ssyncset.done $0x0  }
0xa4: {  	s25 =	simm.s32 $0x1B8E;
	s24 =	sld [smem:$0x3FFE];
	[sflag:s23] =	ssyncadd.s32 $0xFFFFFFFF  }
0xa5: {  	s26 =	simm.s32 $execute0_lowered;
	[smem:$0x3FD2] =	sst s25  }
0xa6: {  	s5 =	sshll.u32 s26, $0x1;
	_ =	strace $0x80000046;
	[dreg:$0x1] =	wrdreg $0xFFFFFFFF  }
0xa7: {  	s28 =	simm.s32 $_size_execute0_lowered;
	s3 =	sadd.s32 s3, s5;
	[dreg:$0x0] =	wrdreg $0x0  }
0xa8: {  	s5 =	sshll.u32 s28, $0x1;
	[dreg:$0x2] =	wrdreg s3  }
0xa9: {  	[dreg:$0x3] =	wrdreg s5  }
0xaa: {  	[dreg:$0x4] =	wrdreg $0xC0  }
0xab: {  	_ =	task [dreg:s7], $0x5FFFF  }
0xac: {  	[dreg:$0x1] =	wrdreg $0xFFFFFFFF  }
0xad: {  	[dreg:$0x0] =	wrdreg $0x60  }
0xae: {  	[dreg:$0x2] =	wrdreg s24  }
0xaf: {  	[dreg:$0x3] =	wrdreg s2  }
0xb0: {  	[dreg:$0x4] =	wrdreg $0xA  }
0xb1: {  	_ =	task.clear_ibuf [dreg:s7], $0x5FFFF;
	_ =	strace $0x90000046  }
0xb2: {  	s29 =	simm.s32 $0xA;
	_ =	strace $0x80000048  }
0xb3: {  	_ =	swait.ge [sflag:s29], $0x1  }
0xb4: {  	[sflag:s29] =	ssyncadd.s32 $0xFFFFFFFF  }
0xb5: {  	_ =	strace $0x90000048  }
0xb6: {  	_ =	sfence  }
0xb7: {  	s30 =	sld [smem:$0x0];
	_ =	sdelay $0x2  }
0xb8: {  	s31 =	sshll.u32 s1, $0xD;
	s1 =	sshrl.u32 s1, $0x2  }
0xb9: {  	s3 =	sand.u32 $0x4000, s31;
	s1 =	sadd.s32 s1, s30  }
0xba: {  	s0 =	sor.u32 s3, s0;
	s1 =	sshll.u32 s1, $0x11  }
0xbb: {  	s0 =	sor.u32 s1, s0  }
0xbc: {  	s0 =	sadd.s32 $0x8F2B, s0  }
0xbd: {  	[sflag:s0] =	ssyncadd.remote.s32 $0x1  }
0xbe: {  	_ =	sfence.sel $0xFFFF  }
0xbf: {  	[dreg:$0x0] =	wrdreg $0xFFFFFFFF;
	(pc) =	sbr.abs _section_cstart, $3  }
0xc0: {  	[dreg:$0x1] =	wrdreg $0xFFFFFFFF  }
0xc1: {  	_ =	task.clear_ibuf [dreg:s7], $0x2FFFF;
	_ =	strace $0x9FFFFFFF  }
0xc2: {  	(tm) =	ssettm $0x7FFFFFFF  }
0xc3: {  	_ =	shalt  }
tec
execute0_lowered:
.L_overlay_start_1:
0x0: {  	(tag) =	ssettag $0x1  }
0x1: {  	s1 =	srdreg.scid  }
0x2: {  	s0 =	stileid.u32;
	s4 =	rddreg [dreg:$0x0]  }
0x3: {  	s2 =	rddreg [dreg:$0x1];
	s3 =	simm.s32 $0x0;
	s14 =	simm.s32 $0x5  }
0x4: {  	s15 =	simm.s32 $0x80;
	s16 =	simm.s32 $0x1000;
	s17 =	simm.s32 $0x5000  }
0x5: {  	s18 =	simm.s32 $0x1;
	s19 =	simm.s32 $0x2;
	s20 =	simm.s32 $0x3  }
0x6: {  	s21 =	simm.s32 $0x4;
	s9 =	sand.u32 $0x1, s1;
	s1 =	rddreg [dreg:$0x2]  }
0x7: {  	s22 =	simm.s32 $0x0;
	s28 =	sshll.u32 s0, $0x1;
	[smem:$0x7FF] =	sst s3  }
0x8: {  	s11 =	smul.u32 $0xD0000, s0;
	s30 =	sshll.u32 s0, $0x9;
	s5 =	sor.u32 s9, s28  }
0x9: {  	_ =	strace $0x80000047;
	s7 =	ssub.s32 $0x2, s9;
	s12 =	smul.u32 $0x68000, s9  }
0xa: {  	s13 =	sshll.u32 s9, $0x8;
	s6 =	smul.u32 $0x1A0, s5;
	s8 =	sshrl.u32 s7, $0x1  }
0xb: {  	s10 =	smul.u32 $0x68000, s5;
	s29 =	sshll.u32 s5, $0x8;
	s7 =	ssub.s32 s7, s8  }
0xc: {  	s11 =	sadd.s32 s12, s11;
	s12 =	sor.u32 s13, s30;
	s6 =	sand.u32 $0x3F80, s6  }
0xd: {  	s7 =	smax.u32 s7, $0x1;
	s10 =	sshrl.u32 s10, $0x3;
	s31 =	sadd.s32 $0xC000, s11  }
0xe: {  	s12 =	sand.u32 $0x300, s12;
	s11 =	sadd.s32 $0x8000, s11;
	s6 =	sadd.s32 s6, s4  }
0xf: {  	s4 =	sadd.s32 $0x1DC00, s4;
	s13 =	sshrl.u32 s31, $0x3;
	s12 =	sadd.s32 $0x180, s12  }
0x10: {  	s5 =	sadd.s32 $0x14000, s6;
	s6 =	sand.u32 $0x300, s29;
	s9 =	sadd.s32 s4, s10  }
0x11: {  	s13 =	sadd.s32 s13, s4;
	s8 =	sor.u32 $0x80, s6;
	s10 =	sadd.s32 $0x800, s9  }
.LBB2_1:
0x12: {  	[tilespmem:s3], [sflag:$0x5] =	stream.linear.gather [hbm4b:s5+s3], $0x1000, $0x38;
	[tilespmem:$0x9000] =	vst v63  }
0x13: {  	_ =	swait.ge [sflag:s14], $0x1000  }
0x14: {  	[sflag:s14] =	ssyncset.done $0x0  }
0x15: {  	[sflag:s14] =	ssyncadd.s32 $0xFFFFF000  }
0x16: {  	[tilespmem:s16], [sflag:$0x1] =	stream.indirect.gather [hbm4b:s2+s15], $0x80, s6, s15, $0xb8;
	[tilespmem:$0x9000] =	vst v63  }
0x17: {  	_ = 	snop  }
0x18: {  	[tilespmem:s17], [sflag:$0x2] =	stream.indirect.gather [hbm4b:s2+s15], $0x80, s8, s15, $0xb8;
	[tilespmem:$0x9000] =	vst v63  }
0x19: {  	_ =	swait.ge [sflag:s18], $0x4000  }
0x1a: {  	[sflag:s18] =	ssyncset.done $0x0  }
0x1b: {  	[sflag:s18] =	ssyncadd.s32 $0xFFFFC000  }
0x1c: {  	[hbm4b:s9+s3] =	stream.linear.scatter [tilespmem:s16], [sflag:$0x3], $0x4000, $0x38;
	[tilespmem:$0x9000] =	vst v63  }
0x1d: {  	_ =	swait.ge [sflag:s19], $0x4000  }
0x1e: {  	[sflag:s19] =	ssyncset.done $0x0  }
0x1f: {  	[sflag:s19] =	ssyncadd.s32 $0xFFFFC000  }
0x20: {  	[hbm4b:s10+s3] =	stream.linear.scatter [tilespmem:s17], [sflag:$0x4], $0x4000, $0x38;
	[tilespmem:$0x9000] =	vst v63  }
0x21: {  	_ =	swait.ge [sflag:s20], $0x4000  }
0x22: {  	[sflag:s20] =	ssyncset.done $0x0  }
0x23: {  	s23 =	sadd.s32 $0xFFFFFF80, s12;
	[sflag:s20] =	ssyncadd.s32 $0xFFFFC000  }
0x24: {  	[tilespmem:s16], [sflag:$0x1] =	stream.indirect.gather [hbm4b:s2+s15], $0x80, s23, s15, $0xb8;
	[tilespmem:$0x9000] =	vst v63  }
0x25: {  	_ =	swait.ge [sflag:s21], $0x4000  }
0x26: {  	[sflag:s21] =	ssyncset.done $0x0  }
0x27: {  	[sflag:s21] =	ssyncadd.s32 $0xFFFFC000  }
0x28: {  	[tilespmem:s17], [sflag:$0x2] =	stream.indirect.gather [hbm4b:s2+s15], $0x80, s12, s15, $0xb8;
	[tilespmem:$0x9000] =	vst v63  }
0x29: {  	_ =	swait.ge [sflag:s18], $0x4000  }
0x2a: {  	s31 =	sshrl.u32 s11, $0x3;
	[sflag:s18] =	ssyncset.done $0x0  }
0x2b: {  	s23 =	sadd.s32 s4, s31;
	[sflag:s18] =	ssyncadd.s32 $0xFFFFC000  }
0x2c: {  	[hbm4b:s23+s3] =	stream.linear.scatter [tilespmem:s16], [sflag:$0x3], $0x4000, $0x38;
	[tilespmem:$0x9000] =	vst v63  }
0x2d: {  	_ =	swait.ge [sflag:s19], $0x4000  }
0x2e: {  	s24 =	sadd.s32 $0x100, s12;
	s26 =	sadd.s32 $0x0, s13;
	[sflag:s19] =	ssyncset.done $0x0  }
0x2f: {  	s25 =	sadd.s32 $0x8000, s11;
	s23 =	simm.s32 $0x1000;
	[sflag:s19] =	ssyncadd.s32 $0xFFFFC000  }
.LBB2_2:
0x30: {  	[hbm4b:s26+s3] =	stream.linear.scatter [tilespmem:s17], [sflag:$0x4], $0x4000, $0x38;
	[tilespmem:$0x9000] =	vst v63  }
0x31: {  	s26 =	smov.u32 s23  }
0x32: {  	p0 =	sne.s32 s23, $0xB000;
	s23 =	sadd.s32 $0x1000, s23;
	_ =	swait.ge [sflag:s20], $0x4000  }
0x33: {  	[sflag:s20] =	ssyncset.done $0x0  }
0x34: {  	s28 =	sadd.s32 $0xFFFFFF80, s24;
	[sflag:s20] =	ssyncadd.s32 $0xFFFFC000  }
0x35: {  	[tilespmem:s16], [sflag:$0x1] =	stream.indirect.gather [hbm4b:s2+s15], $0x80, s28, s15, $0xb8;
	[tilespmem:$0x9000] =	vst v63  }
0x36: {  	_ =	swait.ge [sflag:s21], $0x4000  }
0x37: {  	[sflag:s21] =	ssyncset.done $0x0  }
0x38: {  	[sflag:s21] =	ssyncadd.s32 $0xFFFFC000  }
0x39: {  	[tilespmem:s17], [sflag:$0x2] =	stream.indirect.gather [hbm4b:s2+s15], $0x80, s24, s15, $0xb8;
	[tilespmem:$0x9000] =	vst v63  }
0x3a: {  	_ =	swait.ge [sflag:s18], $0x4000  }
0x3b: {  	s28 =	sshrl.u32 s25, $0x3;
	[sflag:s18] =	ssyncset.done $0x0  }
.Ltmp0:
0x3c: {  	s28 =	sadd.s32 s4, s28;
	[sflag:s18] =	ssyncadd.s32 $0xFFFFC000;
	(pc) =	sbr.rel @p0 .LBB2_2-.Ltmp0, $4  }
0x3d: {  	[hbm4b:s28+s3] =	stream.linear.scatter [tilespmem:s16], [sflag:$0x3], $0x4000, $0x38;
	[tilespmem:$0x9000] =	vst v63  }
0x3e: {  	_ =	swait.ge [sflag:s19], $0x4000  }
0x3f: {  	s24 =	sadd.s32 $0x100, s24;
	[sflag:s19] =	ssyncset.done $0x0  }
0x40: {  	s26 =	sadd.s32 s26, s13;
	s25 =	sadd.s32 $0x8000, s25;
	[sflag:s19] =	ssyncadd.s32 $0xFFFFC000  }
0x41: {  	[hbm4b:s26+s3] =	stream.linear.scatter [tilespmem:s17], [sflag:$0x4], $0x4000, $0x38;
	[tilespmem:$0x9000] =	vst v63  }
0x42: {  	s22 =	sadd.s32 $0x1, s22  }
0x43: {  	_ =	swait.ge [sflag:s20], $0x4000;
	p0 =	sne.s32 s22, s7  }
.Ltmp1:
0x44: {  	[sflag:s20] =	ssyncset.done $0x0;
	(pc) =	sbr.rel @p0 .LBB2_1-.Ltmp1, $4  }
0x45: {  	[sflag:s20] =	ssyncadd.s32 $0xFFFFC000  }
0x46: {  	_ =	swait.ge [sflag:s21], $0x4000  }
0x47: {  	[sflag:s21] =	ssyncset.done $0x0  }
0x48: {  	[sflag:s21] =	ssyncadd.s32 $0xFFFFC000  }
0x49: {  	_ =	sfence.sel $0x180000  }
0x4a: {  	[bflag:$0x0] =	sbarrier.arrive $0xFFFF  }
0x4b: {  	p0 =	sne.s32 s0, $0x0;
	_ =	strace $0x90000047  }
0x4c: {  	s0 =	sadd.s32 @!p0 $0x100000, s1;
	[bflag:$0x2] =	sbarrier.arrive $0xFFFF  }
0x4d: {  	[sflag:s0] =	ssyncadd.tile.s32 @!p0 $0x1;
	_ =	shalt  }
.Lfunc_end2:
_tile_overlayer_lowered:
.L_overlay_start_2:
0x4e: {  	(tag) =	ssettag $0x2  }
0x4f: {  	s0 =	rddreg [dreg:$0x0];
	s2 =	stileid.u32  }
0x50: {  	s1 =	rddreg [dreg:$0x1];
	p0 =	sne.s32 s2, $0x0  }
0x51: {  	s3 =	rddreg [dreg:$0x2];
	[bflag:$0x3] =	sbarrier.arrive $0xFFFF;
	s2 =	simm.s32 @!p0 $0x1C05  }
0x52: {  	[timem:s3], [sflag:s2] =	dma.local @!p0 [hbm:s0], s1  }
0x53: {  	s0 =	simm.s32 @!p0 $0x5  }
0x54: {  	_ =	swait.ge @!p0 [sflag:s0], s1  }
0x55: {  	s1 =	ssub.s32 @!p0 $0x0, s1;
	[sflag:s0] =	ssyncset.done @!p0 $0x0  }
0x56: {  	[sflag:s0] =	ssyncadd.s32 @!p0 s1  }
0x57: {  	[bflag:$0x3] =	sbarrier.arrive $0xFFFF  }
0x58: {  	_ =	shalt  }

// kernel: kernel.16.cloned.1.call-start
scs
__scs_entry_jumppad:
0x0: {  	(pc) =	sbr.rel $0x88, $3  }
0x1: {  	(tag) =	ssettag $0x0;
	lr =	simm.s32 $0x1  }
0x2: {  	[smem:$0x3F8F] =	sst lr;
	_ =	strace $0xD0000000  }
0x3: {  	_ = 	snop  }
0x4: {  	_ = 	snop  }
0x5: {  	_ = 	snop  }
0x6: {  	_ = 	snop  }
0x7: {  	_ = 	snop  }
__scs_overlays_trampoline_lowered:
0x8: {  	[smem:$0x3F9E] =	sst s0  }
0x9: {  	[smem:$0x3F9F] =	sst s1  }
0xa: {  	[smem:$0x3FA0] =	sst s2  }
0xb: {  	[smem:$0x3FA1] =	sst s3  }
0xc: {  	[smem:$0x3FA2] =	sst s4  }
0xd: {  	[smem:$0x3FA3] =	sst s5  }
0xe: {  	[smem:$0x3FA4] =	sst s6  }
0xf: {  	[smem:$0x3FA5] =	sst s7  }
0x10: {  	[smem:$0x3FA6] =	sst s8  }
0x11: {  	[smem:$0x3FA7] =	sst s9;
	s0 =	simm.s32 @!p0 $0x0  }
0x12: {  	s1 =	sld [smem:$0x3F8D];
	s0 =	simm.s32 @p0 $0x1  }
0x13: {  	[smem:$0x3FA8] =	sst s0;
	s0 =	simm.s32 @!p1 $0x0  }
0x14: {  	s2 =	sld [smem:$0x3F8C];
	s0 =	simm.s32 @p1 $0x1  }
0x15: {  	[smem:$0x3FA9] =	sst s0;
	s0 =	simm.s32 @!p2 $0x0  }
0x16: {  	s3 =	sld [smem:$0x3FDB];
	s0 =	simm.s32 @p2 $0x1  }
0x17: {  	s4 =	simm.s32 $0x1BF5;
	[smem:$0x3FAB] =	sst s0  }
0x18: {  	s0 =	sld [smem:$0x3F8E];
	_ =	swait.ge [sflag:s4], $0x0  }
0x19: {  	s7 =	sld [smem:$0x3F8F]  }
0x1a: {  	s8 =	sadd.s32 $0xFFFFE003, lr  }
0x1b: {  	s9 =	sadd.s32 $0xFFFFFEF7, lr;
	s5 =	simm.s32 $0xFFFFFFFF;
	p2 =	slt.u32 s8, $0xFFFFF086  }
0x1c: {  	p1 =	slt.u32 s9, $0xF7A;
	s5 =	simm.s32 @!p2 $0x0  }
0x1d: {  	s5 =	simm.s32 @p1 $0x1;
	p0 =	seq.s32 s7, s2  }
0x1e: {  	s7 =	smul.u32 @!p0 $0xF7A, s2;
	p2 =	seq.s32 @!p0 s5, $0x0  }
0x1f: {  	s9 =	smul.u32 $0xF7A, s1;
	s8 =	simm.s32 @!p0 $0x1BF5;
	p2 =	por !p2, p0  }
0x20: {  	[sflag:s8] =	ssyncset.s32 @!p0 $0xFFFFF086;
	s6 =	sadd.s32 @!p0 s3, s7;
	s7 =	simm.s32 @!p0 $0x108  }
0x21: {  	s3 =	sadd.s32 s3, s9;
	s6 =	sadd.s32 @!p0 $0x88, s6;
	s7 =	simm.s32 @p2 $0x1082  }
0x22: {  	[simem:s7], [sflag:s8] =	dma.local @!p0 [hbm:s6], $0xF7A  }
0x23: {  	s9 =	sor.u32 $0xD0000000, s2;
	s6 =	simm.s32 $0x108;
	_ =	swait.ge @!p0 [sflag:s8], $0x0  }
0x24: {  	s3 =	sadd.s32 $0x88, s3;
	s6 =	simm.s32 @!p1 $0x1082;
	[sflag:s4] =	ssyncset.s32 $0xFFFFF086  }
0x25: {  	[simem:s6], [sflag:s4] =	dma.local [hbm:s3], $0xF7A  }
0x26: {  	[smem:$0x3F8F] =	sst s1;
	(tag) =	ssettag s2;
	_ =	strace s9  }
0x27: {  	s1 =	sld [smem:$0x3F9F]  }
0x28: {  	s2 =	sld [smem:$0x3FA0]  }
0x29: {  	s4 =	sld [smem:$0x3FA2]  }
0x2a: {  	p0 =	seq.s32 s5, $0x0;
	s5 =	sld [smem:$0x3FA3]  }
0x2b: {  	s6 =	sld [smem:$0x3FA4]  }
0x2c: {  	s7 =	sld [smem:$0x3FA5]  }
0x2d: {  	s3 =	simm.s32 $0x108;
	s8 =	sld [smem:$0x3FA6]  }
0x2e: {  	s3 =	simm.s32 @!p0 $0x1082;
	s9 =	sld [smem:$0x3FA7]  }
0x2f: {  	lr =	sadd.s32 s0, s3;
	s0 =	sld [smem:$0x3F9E]  }
0x30: {  	s3 =	sld [smem:$0x3FA1]  }
0x31: {  	[smem:$0x3FAA] =	sst s10  }
0x32: {  	s10 =	sld [smem:$0x3FA8];
	_ =	sdelay $0x3  }
0x33: {  	p0 =	seq.s32 s10, $0x1;
	s10 =	sld [smem:$0x3FAA];
	_ =	sdelay $0x3  }
0x34: {  	[smem:$0x3FAA] =	sst s10  }
0x35: {  	s10 =	sld [smem:$0x3FA9];
	_ =	sdelay $0x3  }
0x36: {  	p1 =	seq.s32 s10, $0x1;
	s10 =	sld [smem:$0x3FAA];
	_ =	sdelay $0x3  }
0x37: {  	[smem:$0x3FAA] =	sst s10  }
0x38: {  	s10 =	sld [smem:$0x3FAB]  }
0x39: {  	_ = 	snop;
	(pc) =	sbr.ind lr, $3  }
0x3a: {  	_ = 	snop  }
0x3b: {  	_ = 	snop  }
0x3c: {  	p2 =	seq.s32 s10, $0x1;
	s10 =	sld [smem:$0x3FAA]  }
0x3d: {  	_ =	shalt  }
0x3e: {  	_ =	shalt  }
0x3f: {  	_ =	shalt  }
0x40: {  	_ =	shalt  }
0x41: {  	_ =	shalt  }
0x42: {  	_ =	shalt  }
0x43: {  	_ =	shalt  }
0x44: {  	_ =	shalt  }
0x45: {  	_ =	shalt  }
0x46: {  	_ =	shalt  }
0x47: {  	_ =	shalt  }
0x48: {  	_ =	shalt  }
0x49: {  	_ =	shalt  }
0x4a: {  	_ =	shalt  }
0x4b: {  	_ =	shalt  }
0x4c: {  	_ =	shalt  }
0x4d: {  	_ =	shalt  }
0x4e: {  	_ =	shalt  }
0x4f: {  	_ =	shalt  }
0x50: {  	_ =	shalt  }
0x51: {  	_ =	shalt  }
0x52: {  	_ =	shalt  }
0x53: {  	_ =	shalt  }
0x54: {  	_ =	shalt  }
0x55: {  	_ =	shalt  }
0x56: {  	_ =	shalt  }
0x57: {  	_ =	shalt  }
0x58: {  	_ =	shalt  }
0x59: {  	_ =	shalt  }
0x5a: {  	_ =	shalt  }
0x5b: {  	_ =	shalt  }
0x5c: {  	_ =	shalt  }
0x5d: {  	_ =	shalt  }
0x5e: {  	_ =	shalt  }
0x5f: {  	_ =	shalt  }
0x60: {  	_ =	shalt  }
0x61: {  	_ =	shalt  }
0x62: {  	_ =	shalt  }
0x63: {  	_ =	shalt  }
0x64: {  	_ =	shalt  }
0x65: {  	_ =	shalt  }
0x66: {  	_ =	shalt  }
0x67: {  	_ =	shalt  }
0x68: {  	_ =	shalt  }
0x69: {  	_ =	shalt  }
0x6a: {  	_ =	shalt  }
0x6b: {  	_ =	shalt  }
0x6c: {  	_ =	shalt  }
0x6d: {  	_ =	shalt  }
0x6e: {  	_ =	shalt  }
0x6f: {  	_ =	shalt  }
0x70: {  	_ =	shalt  }
0x71: {  	_ =	shalt  }
0x72: {  	_ =	shalt  }
0x73: {  	_ =	shalt  }
0x74: {  	_ =	shalt  }
0x75: {  	_ =	shalt  }
0x76: {  	_ =	shalt  }
0x77: {  	_ =	shalt  }
0x78: {  	_ =	shalt  }
0x79: {  	_ =	shalt  }
0x7a: {  	_ =	shalt  }
0x7b: {  	_ =	shalt  }
0x7c: {  	_ =	shalt  }
0x7d: {  	_ =	shalt  }
0x7e: {  	_ =	shalt  }
0x7f: {  	_ =	shalt  }
0x80: {  	_ =	shalt  }
0x81: {  	_ =	shalt  }
0x82: {  	_ =	shalt  }
0x83: {  	_ =	shalt  }
0x84: {  	_ =	shalt  }
0x85: {  	_ =	shalt  }
0x86: {  	_ =	shalt  }
0x87: {  	_ =	shalt  }
.Lfunc_end0:
.L_simem_size_0:
called_computation.2_lowered:
.L_overlay_start_0:
0x88: {  	s2 =	sld [smem:$0x3FD9]  }
0x89: {  	s3 =	sld [smem:$0x3FFE];
	_ =	sdelay $0x1  }
0x8a: {  	s1 =	srdreg.scid  }
0x8b: {  	s0 =	sand.u32 $0x1, s1  }
0x8c: {  	s17 =	sshll.u32 s0, $0xA;
	s2 =	sadd.s32 s3, s2  }
0x8d: {  	s2 =	sadd.s32 s2, s17  }
0x8e: {  	[smem:$0x3FB6] =	sst s2  }
0x8f: {  	_ = 	snop  }
0x90: {  	s18 =	sld [smem:$0x3FC8];
	(tm) =	ssettm $0x1  }
0x91: {  	s19 =	sld [smem:$0x3FFB];
	_ =	sdelay $0x3  }
0x92: {  	_ =	strace s19  }
0x93: {  	s2 =	sld [smem:$0x3FFC];
	_ =	sdelay $0x3  }
0x94: {  	_ =	strace s2  }
0x95: {  	s2 =	sld [smem:$0x3FFD];
	_ =	sdelay $0x3  }
0x96: {  	_ =	strace s2  }
0x97: {  	_ =	strace $0x8FFFFFFF  }
0x98: {  	s20 =	sld [smem:$0x3FDB];
	_ =	sdelay $0x1  }
0x99: {  	s4 =	simm.s32 $_scs_section_size  }
0x9a: {  	s5 =	simm.s32 $_size__tile_overlayer_lowered;
	s6 =	simm.s32 $_tile_overlayer_lowered  }
0x9b: {  	s7 =	simm.s32 $0x1BFF;
	s21 =	sshll.u32 s6, $0x1;
	s4 =	sadd.s32 s4, s20  }
0x9c: {  	s22 =	simm.s32 $0x0;
	s5 =	sshll.u32 s5, $0x1;
	s6 =	sadd.s32 s21, s4  }
0x9d: {  	[timem:s22], [sflag:s7] =	dma.local [hbm:s6], s5  }
0x9e: {  	_ =	swait.ge [sflag:s7], s5  }
0x9f: {  	s5 =	ssub.s32 $0x0, s5;
	[sflag:s7] =	ssyncset.done $0x0  }
0xa0: {  	[sflag:s7] =	ssyncadd.s32 s5;
	_ =	sdelay $0x1  }
0xa1: {  	s23 =	simm.s32 $0x1B8B  }
0xa2: {  	_ =	swait.ge [sflag:s23], $0x1  }
0xa3: {  	[sflag:s23] =	ssyncset.done $0x0  }
0xa4: {  	[sflag:s23] =	ssyncadd.s32 $0xFFFFFFFF  }
0xa5: {  	s5 =	sld [smem:$0x0]  }
0xa6: {  	s6 =	sand.u32 $0xFFFFFFFE, s1  }
0xa7: {  	p0 =	sne.s32 s1, s6  }
0xa8: {  	s6 =	sshll.u32 @p0 s6, $0xE  }
0xa9: {  	s6 =	sadd.s32 @p0 $0x11B8D, s6;
	s7 =	sshll.u32 @p0 s5, $0x11  }
0xaa: {  	s6 =	sor.u32 @p0 s7, s6  }
0xab: {  	[sflag:s6] =	ssyncadd.remote.s32 @p0 $0x1;
	_ =	sdelay $0x1  }
0xac: {  	s6 =	simm.s32 @p0 $0x1B8D  }
0xad: {  	_ =	swait.eq @p0 [sflag:s6], $0x1  }
0xae: {  	[sflag:s6] =	ssyncadd.s32 @p0 $0xFFFFFFFF  }
0xaf: {  	s7 =	sshll.u32 @!p0 s1, $0xE  }
0xb0: {  	s7 =	sor.u32 @!p0 $0x4000, s7;
	s6 =	simm.s32 @!p0 $0x1B8D  }
0xb1: {  	s5 =	sshll.u32 @!p0 s5, $0x11;
	s7 =	sadd.s32 @!p0 $0x11B8D, s7;
	_ =	swait.eq @!p0 [sflag:s6], $0x1  }
0xb2: {  	s5 =	sor.u32 @!p0 s5, s7;
	[sflag:s6] =	ssyncadd.s32 @!p0 $0xFFFFFFFF  }
0xb3: {  	s25 =	simm.s32 $0x1B8E;
	s24 =	sld [smem:$0x3FFE];
	[sflag:s5] =	ssyncadd.remote.s32 @!p0 $0x1  }
0xb4: {  	s26 =	simm.s32 $execute0_lowered;
	[smem:$0x3FD2] =	sst s25  }
0xb5: {  	s6 =	sshll.u32 s26, $0x1;
	_ =	strace $0x80000049;
	[dreg:$0x1] =	wrdreg $0xFFFFFFFF  }
0xb6: {  	s28 =	simm.s32 $_size_execute0_lowered;
	s4 =	sadd.s32 s4, s6;
	[dreg:$0x0] =	wrdreg $0x0  }
0xb7: {  	s6 =	sshll.u32 s28, $0x1;
	[dreg:$0x2] =	wrdreg s4  }
0xb8: {  	[dreg:$0x3] =	wrdreg s6  }
0xb9: {  	[dreg:$0x4] =	wrdreg $0xC0  }
0xba: {  	_ =	task [dreg:s22], $0x5FFFF  }
0xbb: {  	[dreg:$0x1] =	wrdreg $0xFFFFFFFF  }
0xbc: {  	[dreg:$0x0] =	wrdreg $0x60  }
0xbd: {  	[dreg:$0x2] =	wrdreg s24  }
0xbe: {  	[dreg:$0x3] =	wrdreg s18  }
0xbf: {  	[dreg:$0x4] =	wrdreg $0xB  }
0xc0: {  	_ =	task.clear_ibuf [dreg:s22], $0x5FFFF;
	_ =	strace $0x90000049  }
0xc1: {  	s29 =	simm.s32 $0xB;
	_ =	strace $0x8000004B  }
0xc2: {  	_ =	swait.ge [sflag:s29], $0x1  }
0xc3: {  	[sflag:s29] =	ssyncadd.s32 $0xFFFFFFFF  }
0xc4: {  	_ =	strace $0x9000004B  }
0xc5: {  	_ =	sfence  }
0xc6: {  	s30 =	sld [smem:$0x0];
	_ =	sdelay $0x2  }
0xc7: {  	s31 =	sshll.u32 s1, $0xD;
	s1 =	sshrl.u32 s1, $0x2  }
0xc8: {  	s4 =	sand.u32 $0x4000, s31;
	s1 =	sadd.s32 s1, s30  }
0xc9: {  	s0 =	sor.u32 s4, s0;
	s1 =	sshll.u32 s1, $0x11  }
0xca: {  	s0 =	sor.u32 s1, s0  }
0xcb: {  	s0 =	sadd.s32 $0x8F2B, s0  }
0xcc: {  	[sflag:s0] =	ssyncadd.remote.s32 $0x1  }
0xcd: {  	_ =	sfence.sel $0xFFFF  }
0xce: {  	[dreg:$0x0] =	wrdreg $0xFFFFFFFF;
	(pc) =	sbr.abs _section_cstart, $3  }
0xcf: {  	[dreg:$0x1] =	wrdreg $0xFFFFFFFF  }
0xd0: {  	_ =	task.clear_ibuf [dreg:s22], $0x2FFFF;
	_ =	strace $0x9FFFFFFF  }
0xd1: {  	(tm) =	ssettm $0x7FFFFFFF  }
tec
execute0_lowered:
.L_overlay_start_1:
0x0: {  	(tag) =	ssettag $0x1  }
0x1: {  	s1 =	srdreg.scid  }
0x2: {  	s0 =	stileid.u32;
	s4 =	rddreg [dreg:$0x0]  }
0x3: {  	s2 =	rddreg [dreg:$0x1];
	s3 =	simm.s32 $0x0;
	s14 =	simm.s32 $0x5  }
0x4: {  	s15 =	simm.s32 $0x80;
	s16 =	simm.s32 $0x1000;
	s17 =	simm.s32 $0x5000  }
0x5: {  	s18 =	simm.s32 $0x1;
	s19 =	simm.s32 $0x2;
	s20 =	simm.s32 $0x3  }
0x6: {  	s21 =	simm.s32 $0x4;
	s9 =	sand.u32 $0x1, s1;
	s1 =	rddreg [dreg:$0x2]  }
0x7: {  	s22 =	simm.s32 $0x0;
	s28 =	sshll.u32 s0, $0x1;
	[smem:$0x7FF] =	sst s3  }
0x8: {  	s11 =	smul.u32 $0xD0000, s0;
	s30 =	sshll.u32 s0, $0x9;
	s5 =	sor.u32 s9, s28  }
0x9: {  	_ =	strace $0x8000004A;
	s7 =	ssub.s32 $0x2, s9;
	s12 =	smul.u32 $0x68000, s9  }
0xa: {  	s13 =	sshll.u32 s9, $0x8;
	s6 =	smul.u32 $0x1A0, s5;
	s8 =	sshrl.u32 s7, $0x1  }
0xb: {  	s10 =	smul.u32 $0x68000, s5;
	s29 =	sshll.u32 s5, $0x8;
	s7 =	ssub.s32 s7, s8  }
0xc: {  	s11 =	sadd.s32 s12, s11;
	s12 =	sor.u32 s13, s30;
	s6 =	sand.u32 $0x3F80, s6  }
0xd: {  	s7 =	smax.u32 s7, $0x1;
	s10 =	sshrl.u32 s10, $0x3;
	s31 =	sadd.s32 $0xC000, s11  }
0xe: {  	s12 =	sand.u32 $0x300, s12;
	s11 =	sadd.s32 $0x8000, s11;
	s6 =	sadd.s32 s6, s4  }
0xf: {  	s4 =	sadd.s32 $0x1BDC00, s4;
	s13 =	sshrl.u32 s31, $0x3;
	s12 =	sadd.s32 $0x180, s12  }
0x10: {  	s5 =	sadd.s32 $0x17400, s6;
	s6 =	sand.u32 $0x300, s29;
	s9 =	sadd.s32 s4, s10  }
0x11: {  	s13 =	sadd.s32 s13, s4;
	s8 =	sor.u32 $0x80, s6;
	s10 =	sadd.s32 $0x800, s9  }
.LBB2_1:
0x12: {  	[tilespmem:s3], [sflag:$0x5] =	stream.linear.gather [hbm4b:s5+s3], $0x1000, $0x38;
	[tilespmem:$0x9000] =	vst v63  }
0x13: {  	_ =	swait.ge [sflag:s14], $0x1000  }
0x14: {  	[sflag:s14] =	ssyncset.done $0x0  }
0x15: {  	[sflag:s14] =	ssyncadd.s32 $0xFFFFF000  }
0x16: {  	[tilespmem:s16], [sflag:$0x1] =	stream.indirect.gather [hbm4b:s2+s15], $0x80, s6, s15, $0xb8;
	[tilespmem:$0x9000] =	vst v63  }
0x17: {  	_ = 	snop  }
0x18: {  	[tilespmem:s17], [sflag:$0x2] =	stream.indirect.gather [hbm4b:s2+s15], $0x80, s8, s15, $0xb8;
	[tilespmem:$0x9000] =	vst v63  }
0x19: {  	_ =	swait.ge [sflag:s18], $0x4000  }
0x1a: {  	[sflag:s18] =	ssyncset.done $0x0  }
0x1b: {  	[sflag:s18] =	ssyncadd.s32 $0xFFFFC000  }
0x1c: {  	[hbm4b:s9+s3] =	stream.linear.scatter [tilespmem:s16], [sflag:$0x3], $0x4000, $0x38;
	[tilespmem:$0x9000] =	vst v63  }
0x1d: {  	_ =	swait.ge [sflag:s19], $0x4000  }
0x1e: {  	[sflag:s19] =	ssyncset.done $0x0  }
0x1f: {  	[sflag:s19] =	ssyncadd.s32 $0xFFFFC000  }
0x20: {  	[hbm4b:s10+s3] =	stream.linear.scatter [tilespmem:s17], [sflag:$0x4], $0x4000, $0x38;
	[tilespmem:$0x9000] =	vst v63  }
0x21: {  	_ =	swait.ge [sflag:s20], $0x4000  }
0x22: {  	[sflag:s20] =	ssyncset.done $0x0  }
0x23: {  	s23 =	sadd.s32 $0xFFFFFF80, s12;
	[sflag:s20] =	ssyncadd.s32 $0xFFFFC000  }
0x24: {  	[tilespmem:s16], [sflag:$0x1] =	stream.indirect.gather [hbm4b:s2+s15], $0x80, s23, s15, $0xb8;
	[tilespmem:$0x9000] =	vst v63  }
0x25: {  	_ =	swait.ge [sflag:s21], $0x4000  }
0x26: {  	[sflag:s21] =	ssyncset.done $0x0  }
0x27: {  	[sflag:s21] =	ssyncadd.s32 $0xFFFFC000  }
0x28: {  	[tilespmem:s17], [sflag:$0x2] =	stream.indirect.gather [hbm4b:s2+s15], $0x80, s12, s15, $0xb8;
	[tilespmem:$0x9000] =	vst v63  }
0x29: {  	_ =	swait.ge [sflag:s18], $0x4000  }
0x2a: {  	s31 =	sshrl.u32 s11, $0x3;
	[sflag:s18] =	ssyncset.done $0x0  }
0x2b: {  	s23 =	sadd.s32 s4, s31;
	[sflag:s18] =	ssyncadd.s32 $0xFFFFC000  }
0x2c: {  	[hbm4b:s23+s3] =	stream.linear.scatter [tilespmem:s16], [sflag:$0x3], $0x4000, $0x38;
	[tilespmem:$0x9000] =	vst v63  }
0x2d: {  	_ =	swait.ge [sflag:s19], $0x4000  }
0x2e: {  	s24 =	sadd.s32 $0x100, s12;
	s26 =	sadd.s32 $0x0, s13;
	[sflag:s19] =	ssyncset.done $0x0  }
0x2f: {  	s25 =	sadd.s32 $0x8000, s11;
	s23 =	simm.s32 $0x1000;
	[sflag:s19] =	ssyncadd.s32 $0xFFFFC000  }
.LBB2_2:
0x30: {  	[hbm4b:s26+s3] =	stream.linear.scatter [tilespmem:s17], [sflag:$0x4], $0x4000, $0x38;
	[tilespmem:$0x9000] =	vst v63  }
0x31: {  	s26 =	smov.u32 s23  }
0x32: {  	p0 =	sne.s32 s23, $0xB000;
	s23 =	sadd.s32 $0x1000, s23;
	_ =	swait.ge [sflag:s20], $0x4000  }
0x33: {  	[sflag:s20] =	ssyncset.done $0x0  }
0x34: {  	s28 =	sadd.s32 $0xFFFFFF80, s24;
	[sflag:s20] =	ssyncadd.s32 $0xFFFFC000  }
0x35: {  	[tilespmem:s16], [sflag:$0x1] =	stream.indirect.gather [hbm4b:s2+s15], $0x80, s28, s15, $0xb8;
	[tilespmem:$0x9000] =	vst v63  }
0x36: {  	_ =	swait.ge [sflag:s21], $0x4000  }
0x37: {  	[sflag:s21] =	ssyncset.done $0x0  }
0x38: {  	[sflag:s21] =	ssyncadd.s32 $0xFFFFC000  }
0x39: {  	[tilespmem:s17], [sflag:$0x2] =	stream.indirect.gather [hbm4b:s2+s15], $0x80, s24, s15, $0xb8;
	[tilespmem:$0x9000] =	vst v63  }
0x3a: {  	_ =	swait.ge [sflag:s18], $0x4000  }
0x3b: {  	s28 =	sshrl.u32 s25, $0x3;
	[sflag:s18] =	ssyncset.done $0x0  }
.Ltmp0:
0x3c: {  	s28 =	sadd.s32 s4, s28;
	[sflag:s18] =	ssyncadd.s32 $0xFFFFC000;
	(pc) =	sbr.rel @p0 .LBB2_2-.Ltmp0, $4  }
0x3d: {  	[hbm4b:s28+s3] =	stream.linear.scatter [tilespmem:s16], [sflag:$0x3], $0x4000, $0x38;
	[tilespmem:$0x9000] =	vst v63  }
0x3e: {  	_ =	swait.ge [sflag:s19], $0x4000  }
0x3f: {  	s24 =	sadd.s32 $0x100, s24;
	[sflag:s19] =	ssyncset.done $0x0  }
0x40: {  	s26 =	sadd.s32 s26, s13;
	s25 =	sadd.s32 $0x8000, s25;
	[sflag:s19] =	ssyncadd.s32 $0xFFFFC000  }
0x41: {  	[hbm4b:s26+s3] =	stream.linear.scatter [tilespmem:s17], [sflag:$0x4], $0x4000, $0x38;
	[tilespmem:$0x9000] =	vst v63  }
0x42: {  	s22 =	sadd.s32 $0x1, s22  }
0x43: {  	_ =	swait.ge [sflag:s20], $0x4000;
	p0 =	sne.s32 s22, s7  }
.Ltmp1:
0x44: {  	[sflag:s20] =	ssyncset.done $0x0;
	(pc) =	sbr.rel @p0 .LBB2_1-.Ltmp1, $4  }
0x45: {  	[sflag:s20] =	ssyncadd.s32 $0xFFFFC000  }
0x46: {  	_ =	swait.ge [sflag:s21], $0x4000  }
0x47: {  	[sflag:s21] =	ssyncset.done $0x0  }
0x48: {  	[sflag:s21] =	ssyncadd.s32 $0xFFFFC000  }
0x49: {  	_ =	sfence.sel $0x180000  }
0x4a: {  	[bflag:$0x0] =	sbarrier.arrive $0xFFFF  }
0x4b: {  	p0 =	sne.s32 s0, $0x0;
	_ =	strace $0x9000004A  }
0x4c: {  	s0 =	sadd.s32 @!p0 $0x100000, s1;
	[bflag:$0x2] =	sbarrier.arrive $0xFFFF  }
0x4d: {  	[sflag:s0] =	ssyncadd.tile.s32 @!p0 $0x1;
	_ =	shalt  }
.Lfunc_end2:
_tile_overlayer_lowered:
.L_overlay_start_2:
0x4e: {  	(tag) =	ssettag $0x2  }
0x4f: {  	s0 =	rddreg [dreg:$0x0];
	s2 =	stileid.u32  }
0x50: {  	s1 =	rddreg [dreg:$0x1];
	p0 =	sne.s32 s2, $0x0  }
0x51: {  	s3 =	rddreg [dreg:$0x2];
	[bflag:$0x3] =	sbarrier.arrive $0xFFFF;
	s2 =	simm.s32 @!p0 $0x1C05  }
0x52: {  	[timem:s3], [sflag:s2] =	dma.local @!p0 [hbm:s0], s1  }
0x53: {  	s0 =	simm.s32 @!p0 $0x5  }
0x54: {  	_ =	swait.ge @!p0 [sflag:s0], s1  }
0x55: {  	s1 =	ssub.s32 @!p0 $0x0, s1;
	[sflag:s0] =	ssyncset.done @!p0 $0x0  }
0x56: {  	[sflag:s0] =	ssyncadd.s32 @!p0 s1  }
0x57: {  	[bflag:$0x3] =	sbarrier.arrive $0xFFFF  }
0x58: {  	_ =	shalt  }

// kernel: kernel.19.cloned.1.call-start
scs
__scs_entry_jumppad:
0x0: {  	(pc) =	sbr.rel $0x88, $3  }
0x1: {  	(tag) =	ssettag $0x0;
	lr =	simm.s32 $0x1  }
0x2: {  	[smem:$0x3F8F] =	sst lr;
	_ =	strace $0xD0000000  }
0x3: {  	_ = 	snop  }
0x4: {  	_ = 	snop  }
0x5: {  	_ = 	snop  }
0x6: {  	_ = 	snop  }
0x7: {  	_ = 	snop  }
__scs_overlays_trampoline_lowered:
0x8: {  	[smem:$0x3F9E] =	sst s0  }
0x9: {  	[smem:$0x3F9F] =	sst s1  }
0xa: {  	[smem:$0x3FA0] =	sst s2  }
0xb: {  	[smem:$0x3FA1] =	sst s3  }
0xc: {  	[smem:$0x3FA2] =	sst s4  }
0xd: {  	[smem:$0x3FA3] =	sst s5  }
0xe: {  	[smem:$0x3FA4] =	sst s6  }
0xf: {  	[smem:$0x3FA5] =	sst s7  }
0x10: {  	[smem:$0x3FA6] =	sst s8  }
0x11: {  	[smem:$0x3FA7] =	sst s9;
	s0 =	simm.s32 @!p0 $0x0  }
0x12: {  	s1 =	sld [smem:$0x3F8D];
	s0 =	simm.s32 @p0 $0x1  }
0x13: {  	[smem:$0x3FA8] =	sst s0;
	s0 =	simm.s32 @!p1 $0x0  }
0x14: {  	s2 =	sld [smem:$0x3F8C];
	s0 =	simm.s32 @p1 $0x1  }
0x15: {  	[smem:$0x3FA9] =	sst s0;
	s0 =	simm.s32 @!p2 $0x0  }
0x16: {  	s3 =	sld [smem:$0x3FDB];
	s0 =	simm.s32 @p2 $0x1  }
0x17: {  	s4 =	simm.s32 $0x1BF5;
	[smem:$0x3FAB] =	sst s0  }
0x18: {  	s0 =	sld [smem:$0x3F8E];
	_ =	swait.ge [sflag:s4], $0x0  }
0x19: {  	s7 =	sld [smem:$0x3F8F]  }
0x1a: {  	s8 =	sadd.s32 $0xFFFFE003, lr  }
0x1b: {  	s9 =	sadd.s32 $0xFFFFFEF7, lr;
	s5 =	simm.s32 $0xFFFFFFFF;
	p2 =	slt.u32 s8, $0xFFFFF086  }
0x1c: {  	p1 =	slt.u32 s9, $0xF7A;
	s5 =	simm.s32 @!p2 $0x0  }
0x1d: {  	s5 =	simm.s32 @p1 $0x1;
	p0 =	seq.s32 s7, s2  }
0x1e: {  	s7 =	smul.u32 @!p0 $0xF7A, s2;
	p2 =	seq.s32 @!p0 s5, $0x0  }
0x1f: {  	s9 =	smul.u32 $0xF7A, s1;
	s8 =	simm.s32 @!p0 $0x1BF5;
	p2 =	por !p2, p0  }
0x20: {  	[sflag:s8] =	ssyncset.s32 @!p0 $0xFFFFF086;
	s6 =	sadd.s32 @!p0 s3, s7;
	s7 =	simm.s32 @!p0 $0x108  }
0x21: {  	s3 =	sadd.s32 s3, s9;
	s6 =	sadd.s32 @!p0 $0x88, s6;
	s7 =	simm.s32 @p2 $0x1082  }
0x22: {  	[simem:s7], [sflag:s8] =	dma.local @!p0 [hbm:s6], $0xF7A  }
0x23: {  	s9 =	sor.u32 $0xD0000000, s2;
	s6 =	simm.s32 $0x108;
	_ =	swait.ge @!p0 [sflag:s8], $0x0  }
0x24: {  	s3 =	sadd.s32 $0x88, s3;
	s6 =	simm.s32 @!p1 $0x1082;
	[sflag:s4] =	ssyncset.s32 $0xFFFFF086  }
0x25: {  	[simem:s6], [sflag:s4] =	dma.local [hbm:s3], $0xF7A  }
0x26: {  	[smem:$0x3F8F] =	sst s1;
	(tag) =	ssettag s2;
	_ =	strace s9  }
0x27: {  	s1 =	sld [smem:$0x3F9F]  }
0x28: {  	s2 =	sld [smem:$0x3FA0]  }
0x29: {  	s4 =	sld [smem:$0x3FA2]  }
0x2a: {  	p0 =	seq.s32 s5, $0x0;
	s5 =	sld [smem:$0x3FA3]  }
0x2b: {  	s6 =	sld [smem:$0x3FA4]  }
0x2c: {  	s7 =	sld [smem:$0x3FA5]  }
0x2d: {  	s3 =	simm.s32 $0x108;
	s8 =	sld [smem:$0x3FA6]  }
0x2e: {  	s3 =	simm.s32 @!p0 $0x1082;
	s9 =	sld [smem:$0x3FA7]  }
0x2f: {  	lr =	sadd.s32 s0, s3;
	s0 =	sld [smem:$0x3F9E]  }
0x30: {  	s3 =	sld [smem:$0x3FA1]  }
0x31: {  	[smem:$0x3FAA] =	sst s10  }
0x32: {  	s10 =	sld [smem:$0x3FA8];
	_ =	sdelay $0x3  }
0x33: {  	p0 =	seq.s32 s10, $0x1;
	s10 =	sld [smem:$0x3FAA];
	_ =	sdelay $0x3  }
0x34: {  	[smem:$0x3FAA] =	sst s10  }
0x35: {  	s10 =	sld [smem:$0x3FA9];
	_ =	sdelay $0x3  }
0x36: {  	p1 =	seq.s32 s10, $0x1;
	s10 =	sld [smem:$0x3FAA];
	_ =	sdelay $0x3  }
0x37: {  	[smem:$0x3FAA] =	sst s10  }
0x38: {  	s10 =	sld [smem:$0x3FAB]  }
0x39: {  	_ = 	snop;
	(pc) =	sbr.ind lr, $3  }
0x3a: {  	_ = 	snop  }
0x3b: {  	_ = 	snop  }
0x3c: {  	p2 =	seq.s32 s10, $0x1;
	s10 =	sld [smem:$0x3FAA]  }
0x3d: {  	_ =	shalt  }
0x3e: {  	_ =	shalt  }
0x3f: {  	_ =	shalt  }
0x40: {  	_ =	shalt  }
0x41: {  	_ =	shalt  }
0x42: {  	_ =	shalt  }
0x43: {  	_ =	shalt  }
0x44: {  	_ =	shalt  }
0x45: {  	_ =	shalt  }
0x46: {  	_ =	shalt  }
0x47: {  	_ =	shalt  }
0x48: {  	_ =	shalt  }
0x49: {  	_ =	shalt  }
0x4a: {  	_ =	shalt  }
0x4b: {  	_ =	shalt  }
0x4c: {  	_ =	shalt  }
0x4d: {  	_ =	shalt  }
0x4e: {  	_ =	shalt  }
0x4f: {  	_ =	shalt  }
0x50: {  	_ =	shalt  }
0x51: {  	_ =	shalt  }
0x52: {  	_ =	shalt  }
0x53: {  	_ =	shalt  }
0x54: {  	_ =	shalt  }
0x55: {  	_ =	shalt  }
0x56: {  	_ =	shalt  }
0x57: {  	_ =	shalt  }
0x58: {  	_ =	shalt  }
0x59: {  	_ =	shalt  }
0x5a: {  	_ =	shalt  }
0x5b: {  	_ =	shalt  }
0x5c: {  	_ =	shalt  }
0x5d: {  	_ =	shalt  }
0x5e: {  	_ =	shalt  }
0x5f: {  	_ =	shalt  }
0x60: {  	_ =	shalt  }
0x61: {  	_ =	shalt  }
0x62: {  	_ =	shalt  }
0x63: {  	_ =	shalt  }
0x64: {  	_ =	shalt  }
0x65: {  	_ =	shalt  }
0x66: {  	_ =	shalt  }
0x67: {  	_ =	shalt  }
0x68: {  	_ =	shalt  }
0x69: {  	_ =	shalt  }
0x6a: {  	_ =	shalt  }
0x6b: {  	_ =	shalt  }
0x6c: {  	_ =	shalt  }
0x6d: {  	_ =	shalt  }
0x6e: {  	_ =	shalt  }
0x6f: {  	_ =	shalt  }
0x70: {  	_ =	shalt  }
0x71: {  	_ =	shalt  }
0x72: {  	_ =	shalt  }
0x73: {  	_ =	shalt  }
0x74: {  	_ =	shalt  }
0x75: {  	_ =	shalt  }
0x76: {  	_ =	shalt  }
0x77: {  	_ =	shalt  }
0x78: {  	_ =	shalt  }
0x79: {  	_ =	shalt  }
0x7a: {  	_ =	shalt  }
0x7b: {  	_ =	shalt  }
0x7c: {  	_ =	shalt  }
0x7d: {  	_ =	shalt  }
0x7e: {  	_ =	shalt  }
0x7f: {  	_ =	shalt  }
0x80: {  	_ =	shalt  }
0x81: {  	_ =	shalt  }
0x82: {  	_ =	shalt  }
0x83: {  	_ =	shalt  }
0x84: {  	_ =	shalt  }
0x85: {  	_ =	shalt  }
0x86: {  	_ =	shalt  }
0x87: {  	_ =	shalt  }
.Lfunc_end0:
.L_simem_size_0:
called_computation.3_lowered:
.L_overlay_start_0:
0x88: {  	s2 =	sld [smem:$0x3FD9]  }
0x89: {  	s3 =	sld [smem:$0x3FFE];
	_ =	sdelay $0x1  }
0x8a: {  	s1 =	srdreg.scid  }
0x8b: {  	s0 =	sand.u32 $0x1, s1  }
0x8c: {  	s17 =	sshll.u32 s0, $0xA;
	s2 =	sadd.s32 s3, s2  }
0x8d: {  	s2 =	sadd.s32 s2, s17  }
0x8e: {  	[smem:$0x3FB6] =	sst s2  }
0x8f: {  	_ = 	snop  }
0x90: {  	s18 =	sld [smem:$0x3FC8];
	(tm) =	ssettm $0x1  }
0x91: {  	s19 =	sld [smem:$0x3FFB];
	_ =	sdelay $0x3  }
0x92: {  	_ =	strace s19  }
0x93: {  	s2 =	sld [smem:$0x3FFC];
	_ =	sdelay $0x3  }
0x94: {  	_ =	strace s2  }
0x95: {  	s2 =	sld [smem:$0x3FFD];
	_ =	sdelay $0x3  }
0x96: {  	_ =	strace s2  }
0x97: {  	_ =	strace $0x8FFFFFFF  }
0x98: {  	s20 =	sld [smem:$0x3FDB];
	_ =	sdelay $0x1  }
0x99: {  	s4 =	simm.s32 $_scs_section_size  }
0x9a: {  	s5 =	simm.s32 $_size__tile_overlayer_lowered;
	s6 =	simm.s32 $_tile_overlayer_lowered  }
0x9b: {  	s7 =	simm.s32 $0x1BFF;
	s21 =	sshll.u32 s6, $0x1;
	s4 =	sadd.s32 s4, s20  }
0x9c: {  	s22 =	simm.s32 $0x0;
	s5 =	sshll.u32 s5, $0x1;
	s6 =	sadd.s32 s21, s4  }
0x9d: {  	[timem:s22], [sflag:s7] =	dma.local [hbm:s6], s5  }
0x9e: {  	_ =	swait.ge [sflag:s7], s5  }
0x9f: {  	s5 =	ssub.s32 $0x0, s5;
	[sflag:s7] =	ssyncset.done $0x0  }
0xa0: {  	[sflag:s7] =	ssyncadd.s32 s5;
	_ =	sdelay $0x1  }
0xa1: {  	s23 =	simm.s32 $0x1B8B  }
0xa2: {  	_ =	swait.ge [sflag:s23], $0x1  }
0xa3: {  	[sflag:s23] =	ssyncset.done $0x0  }
0xa4: {  	[sflag:s23] =	ssyncadd.s32 $0xFFFFFFFF  }
0xa5: {  	s5 =	sld [smem:$0x0]  }
0xa6: {  	s6 =	sand.u32 $0xFFFFFFFE, s1  }
0xa7: {  	p0 =	sne.s32 s1, s6  }
0xa8: {  	s6 =	sshll.u32 @p0 s6, $0xE  }
0xa9: {  	s6 =	sadd.s32 @p0 $0x11B8D, s6;
	s7 =	sshll.u32 @p0 s5, $0x11  }
0xaa: {  	s6 =	sor.u32 @p0 s7, s6  }
0xab: {  	[sflag:s6] =	ssyncadd.remote.s32 @p0 $0x1;
	_ =	sdelay $0x1  }
0xac: {  	s6 =	simm.s32 @p0 $0x1B8D  }
0xad: {  	_ =	swait.eq @p0 [sflag:s6], $0x1  }
0xae: {  	[sflag:s6] =	ssyncadd.s32 @p0 $0xFFFFFFFF  }
0xaf: {  	s7 =	sshll.u32 @!p0 s1, $0xE  }
0xb0: {  	s7 =	sor.u32 @!p0 $0x4000, s7;
	s6 =	simm.s32 @!p0 $0x1B8D  }
0xb1: {  	s5 =	sshll.u32 @!p0 s5, $0x11;
	s7 =	sadd.s32 @!p0 $0x11B8D, s7;
	_ =	swait.eq @!p0 [sflag:s6], $0x1  }
0xb2: {  	s5 =	sor.u32 @!p0 s5, s7;
	[sflag:s6] =	ssyncadd.s32 @!p0 $0xFFFFFFFF  }
0xb3: {  	s25 =	simm.s32 $0x1B8E;
	s24 =	sld [smem:$0x3FFE];
	[sflag:s5] =	ssyncadd.remote.s32 @!p0 $0x1  }
0xb4: {  	s26 =	simm.s32 $execute0_lowered;
	[smem:$0x3FD2] =	sst s25  }
0xb5: {  	s6 =	sshll.u32 s26, $0x1;
	_ =	strace $0x8000004C;
	[dreg:$0x1] =	wrdreg $0xFFFFFFFF  }
0xb6: {  	s28 =	simm.s32 $_size_execute0_lowered;
	s4 =	sadd.s32 s4, s6;
	[dreg:$0x0] =	wrdreg $0x0  }
0xb7: {  	s6 =	sshll.u32 s28, $0x1;
	[dreg:$0x2] =	wrdreg s4  }
0xb8: {  	[dreg:$0x3] =	wrdreg s6  }
0xb9: {  	[dreg:$0x4] =	wrdreg $0xC0  }
0xba: {  	_ =	task [dreg:s22], $0x5FFFF  }
0xbb: {  	[dreg:$0x1] =	wrdreg $0xFFFFFFFF  }
0xbc: {  	[dreg:$0x0] =	wrdreg $0x60  }
0xbd: {  	[dreg:$0x2] =	wrdreg s24  }
0xbe: {  	[dreg:$0x3] =	wrdreg s18  }
0xbf: {  	[dreg:$0x4] =	wrdreg $0xC  }
0xc0: {  	_ =	task.clear_ibuf [dreg:s22], $0x5FFFF;
	_ =	strace $0x9000004C  }
0xc1: {  	s29 =	simm.s32 $0xC;
	_ =	strace $0x8000004E  }
0xc2: {  	_ =	swait.ge [sflag:s29], $0x1  }
0xc3: {  	[sflag:s29] =	ssyncadd.s32 $0xFFFFFFFF  }
0xc4: {  	_ =	strace $0x9000004E  }
0xc5: {  	_ =	sfence  }
0xc6: {  	s30 =	sld [smem:$0x0];
	_ =	sdelay $0x2  }
0xc7: {  	s31 =	sshll.u32 s1, $0xD;
	s1 =	sshrl.u32 s1, $0x2  }
0xc8: {  	s4 =	sand.u32 $0x4000, s31;
	s1 =	sadd.s32 s1, s30  }
0xc9: {  	s0 =	sor.u32 s4, s0;
	s1 =	sshll.u32 s1, $0x11  }
0xca: {  	s0 =	sor.u32 s1, s0  }
0xcb: {  	s0 =	sadd.s32 $0x8F2B, s0  }
0xcc: {  	[sflag:s0] =	ssyncadd.remote.s32 $0x1  }
0xcd: {  	_ =	sfence.sel $0xFFFF  }
0xce: {  	[dreg:$0x0] =	wrdreg $0xFFFFFFFF;
	(pc) =	sbr.abs _section_cstart, $3  }
0xcf: {  	[dreg:$0x1] =	wrdreg $0xFFFFFFFF  }
0xd0: {  	_ =	task.clear_ibuf [dreg:s22], $0x2FFFF;
	_ =	strace $0x9FFFFFFF  }
0xd1: {  	(tm) =	ssettm $0x7FFFFFFF  }
tec
execute0_lowered:
.L_overlay_start_1:
0x0: {  	(tag) =	ssettag $0x1  }
0x1: {  	s1 =	srdreg.scid  }
0x2: {  	s0 =	stileid.u32;
	s4 =	rddreg [dreg:$0x0]  }
0x3: {  	s2 =	rddreg [dreg:$0x1];
	s3 =	simm.s32 $0x0;
	s14 =	simm.s32 $0x5  }
0x4: {  	s15 =	simm.s32 $0x80;
	s16 =	simm.s32 $0x1000;
	s17 =	simm.s32 $0x5000  }
0x5: {  	s18 =	simm.s32 $0x1;
	s19 =	simm.s32 $0x2;
	s20 =	simm.s32 $0x3  }
0x6: {  	s21 =	simm.s32 $0x4;
	s9 =	sand.u32 $0x1, s1;
	s1 =	rddreg [dreg:$0x2]  }
0x7: {  	s22 =	simm.s32 $0x0;
	s28 =	sshll.u32 s0, $0x1;
	[smem:$0x7FF] =	sst s3  }
0x8: {  	s11 =	smul.u32 $0xD0000, s0;
	s30 =	sshll.u32 s0, $0x9;
	s5 =	sor.u32 s9, s28  }
0x9: {  	_ =	strace $0x8000004D;
	s7 =	ssub.s32 $0x2, s9;
	s12 =	smul.u32 $0x68000, s9  }
0xa: {  	s13 =	sshll.u32 s9, $0x8;
	s6 =	smul.u32 $0x1A0, s5;
	s8 =	sshrl.u32 s7, $0x1  }
0xb: {  	s10 =	smul.u32 $0x68000, s5;
	s29 =	sshll.u32 s5, $0x8;
	s7 =	ssub.s32 s7, s8  }
0xc: {  	s11 =	sadd.s32 s12, s11;
	s12 =	sor.u32 s13, s30;
	s6 =	sand.u32 $0x3F80, s6  }
0xd: {  	s7 =	smax.u32 s7, $0x1;
	s10 =	sshrl.u32 s10, $0x3;
	s31 =	sadd.s32 $0xC000, s11  }
0xe: {  	s12 =	sand.u32 $0x300, s12;
	s11 =	sadd.s32 $0x8000, s11;
	s6 =	sadd.s32 s6, s4  }
0xf: {  	s4 =	sadd.s32 $0x35DC00, s4;
	s13 =	sshrl.u32 s31, $0x3;
	s12 =	sadd.s32 $0x180, s12  }
0x10: {  	s5 =	sadd.s32 $0x1A800, s6;
	s6 =	sand.u32 $0x300, s29;
	s9 =	sadd.s32 s4, s10  }
0x11: {  	s13 =	sadd.s32 s13, s4;
	s8 =	sor.u32 $0x80, s6;
	s10 =	sadd.s32 $0x800, s9  }
.LBB2_1:
0x12: {  	[tilespmem:s3], [sflag:$0x5] =	stream.linear.gather [hbm4b:s5+s3], $0x1000, $0x38;
	[tilespmem:$0x9000] =	vst v63  }
0x13: {  	_ =	swait.ge [sflag:s14], $0x1000  }
0x14: {  	[sflag:s14] =	ssyncset.done $0x0  }
0x15: {  	[sflag:s14] =	ssyncadd.s32 $0xFFFFF000  }
0x16: {  	[tilespmem:s16], [sflag:$0x1] =	stream.indirect.gather [hbm4b:s2+s15], $0x80, s6, s15, $0xb8;
	[tilespmem:$0x9000] =	vst v63  }
0x17: {  	_ = 	snop  }
0x18: {  	[tilespmem:s17], [sflag:$0x2] =	stream.indirect.gather [hbm4b:s2+s15], $0x80, s8, s15, $0xb8;
	[tilespmem:$0x9000] =	vst v63  }
0x19: {  	_ =	swait.ge [sflag:s18], $0x4000  }
0x1a: {  	[sflag:s18] =	ssyncset.done $0x0  }
0x1b: {  	[sflag:s18] =	ssyncadd.s32 $0xFFFFC000  }
0x1c: {  	[hbm4b:s9+s3] =	stream.linear.scatter [tilespmem:s16], [sflag:$0x3], $0x4000, $0x38;
	[tilespmem:$0x9000] =	vst v63  }
0x1d: {  	_ =	swait.ge [sflag:s19], $0x4000  }
0x1e: {  	[sflag:s19] =	ssyncset.done $0x0  }
0x1f: {  	[sflag:s19] =	ssyncadd.s32 $0xFFFFC000  }
0x20: {  	[hbm4b:s10+s3] =	stream.linear.scatter [tilespmem:s17], [sflag:$0x4], $0x4000, $0x38;
	[tilespmem:$0x9000] =	vst v63  }
0x21: {  	_ =	swait.ge [sflag:s20], $0x4000  }
0x22: {  	[sflag:s20] =	ssyncset.done $0x0  }
0x23: {  	s23 =	sadd.s32 $0xFFFFFF80, s12;
	[sflag:s20] =	ssyncadd.s32 $0xFFFFC000  }
0x24: {  	[tilespmem:s16], [sflag:$0x1] =	stream.indirect.gather [hbm4b:s2+s15], $0x80, s23, s15, $0xb8;
	[tilespmem:$0x9000] =	vst v63  }
0x25: {  	_ =	swait.ge [sflag:s21], $0x4000  }
0x26: {  	[sflag:s21] =	ssyncset.done $0x0  }
0x27: {  	[sflag:s21] =	ssyncadd.s32 $0xFFFFC000  }
0x28: {  	[tilespmem:s17], [sflag:$0x2] =	stream.indirect.gather [hbm4b:s2+s15], $0x80, s12, s15, $0xb8;
	[tilespmem:$0x9000] =	vst v63  }
0x29: {  	_ =	swait.ge [sflag:s18], $0x4000  }
0x2a: {  	s31 =	sshrl.u32 s11, $0x3;
	[sflag:s18] =	ssyncset.done $0x0  }
0x2b: {  	s23 =	sadd.s32 s4, s31;
	[sflag:s18] =	ssyncadd.s32 $0xFFFFC000  }
0x2c: {  	[hbm4b:s23+s3] =	stream.linear.scatter [tilespmem:s16], [sflag:$0x3], $0x4000, $0x38;
	[tilespmem:$0x9000] =	vst v63  }
0x2d: {  	_ =	swait.ge [sflag:s19], $0x4000  }
0x2e: {  	s24 =	sadd.s32 $0x100, s12;
	s26 =	sadd.s32 $0x0, s13;
	[sflag:s19] =	ssyncset.done $0x0  }
0x2f: {  	s25 =	sadd.s32 $0x8000, s11;
	s23 =	simm.s32 $0x1000;
	[sflag:s19] =	ssyncadd.s32 $0xFFFFC000  }
.LBB2_2:
0x30: {  	[hbm4b:s26+s3] =	stream.linear.scatter [tilespmem:s17], [sflag:$0x4], $0x4000, $0x38;
	[tilespmem:$0x9000] =	vst v63  }
0x31: {  	s26 =	smov.u32 s23  }
0x32: {  	p0 =	sne.s32 s23, $0xB000;
	s23 =	sadd.s32 $0x1000, s23;
	_ =	swait.ge [sflag:s20], $0x4000  }
0x33: {  	[sflag:s20] =	ssyncset.done $0x0  }
0x34: {  	s28 =	sadd.s32 $0xFFFFFF80, s24;
	[sflag:s20] =	ssyncadd.s32 $0xFFFFC000  }
0x35: {  	[tilespmem:s16], [sflag:$0x1] =	stream.indirect.gather [hbm4b:s2+s15], $0x80, s28, s15, $0xb8;
	[tilespmem:$0x9000] =	vst v63  }
0x36: {  	_ =	swait.ge [sflag:s21], $0x4000  }
0x37: {  	[sflag:s21] =	ssyncset.done $0x0  }
0x38: {  	[sflag:s21] =	ssyncadd.s32 $0xFFFFC000  }
0x39: {  	[tilespmem:s17], [sflag:$0x2] =	stream.indirect.gather [hbm4b:s2+s15], $0x80, s24, s15, $0xb8;
	[tilespmem:$0x9000] =	vst v63  }
0x3a: {  	_ =	swait.ge [sflag:s18], $0x4000  }
0x3b: {  	s28 =	sshrl.u32 s25, $0x3;
	[sflag:s18] =	ssyncset.done $0x0  }
.Ltmp0:
0x3c: {  	s28 =	sadd.s32 s4, s28;
	[sflag:s18] =	ssyncadd.s32 $0xFFFFC000;
	(pc) =	sbr.rel @p0 .LBB2_2-.Ltmp0, $4  }
0x3d: {  	[hbm4b:s28+s3] =	stream.linear.scatter [tilespmem:s16], [sflag:$0x3], $0x4000, $0x38;
	[tilespmem:$0x9000] =	vst v63  }
0x3e: {  	_ =	swait.ge [sflag:s19], $0x4000  }
0x3f: {  	s24 =	sadd.s32 $0x100, s24;
	[sflag:s19] =	ssyncset.done $0x0  }
0x40: {  	s26 =	sadd.s32 s26, s13;
	s25 =	sadd.s32 $0x8000, s25;
	[sflag:s19] =	ssyncadd.s32 $0xFFFFC000  }
0x41: {  	[hbm4b:s26+s3] =	stream.linear.scatter [tilespmem:s17], [sflag:$0x4], $0x4000, $0x38;
	[tilespmem:$0x9000] =	vst v63  }
0x42: {  	s22 =	sadd.s32 $0x1, s22  }
0x43: {  	_ =	swait.ge [sflag:s20], $0x4000;
	p0 =	sne.s32 s22, s7  }
.Ltmp1:
0x44: {  	[sflag:s20] =	ssyncset.done $0x0;
	(pc) =	sbr.rel @p0 .LBB2_1-.Ltmp1, $4  }
0x45: {  	[sflag:s20] =	ssyncadd.s32 $0xFFFFC000  }
0x46: {  	_ =	swait.ge [sflag:s21], $0x4000  }
0x47: {  	[sflag:s21] =	ssyncset.done $0x0  }
0x48: {  	[sflag:s21] =	ssyncadd.s32 $0xFFFFC000  }
0x49: {  	_ =	sfence.sel $0x180000  }
0x4a: {  	[bflag:$0x0] =	sbarrier.arrive $0xFFFF  }
0x4b: {  	p0 =	sne.s32 s0, $0x0;
	_ =	strace $0x9000004D  }
0x4c: {  	s0 =	sadd.s32 @!p0 $0x100000, s1;
	[bflag:$0x2] =	sbarrier.arrive $0xFFFF  }
0x4d: {  	[sflag:s0] =	ssyncadd.tile.s32 @!p0 $0x1;
	_ =	shalt  }
.Lfunc_end2:
_tile_overlayer_lowered:
.L_overlay_start_2:
0x4e: {  	(tag) =	ssettag $0x2  }
0x4f: {  	s0 =	rddreg [dreg:$0x0];
	s2 =	stileid.u32  }
0x50: {  	s1 =	rddreg [dreg:$0x1];
	p0 =	sne.s32 s2, $0x0  }
0x51: {  	s3 =	rddreg [dreg:$0x2];
	[bflag:$0x3] =	sbarrier.arrive $0xFFFF;
	s2 =	simm.s32 @!p0 $0x1C05  }
0x52: {  	[timem:s3], [sflag:s2] =	dma.local @!p0 [hbm:s0], s1  }
0x53: {  	s0 =	simm.s32 @!p0 $0x5  }
0x54: {  	_ =	swait.ge @!p0 [sflag:s0], s1  }
0x55: {  	s1 =	ssub.s32 @!p0 $0x0, s1;
	[sflag:s0] =	ssyncset.done @!p0 $0x0  }
0x56: {  	[sflag:s0] =	ssyncadd.s32 @!p0 s1  }
0x57: {  	[bflag:$0x3] =	sbarrier.arrive $0xFFFF  }
0x58: {  	_ =	shalt  }

</sc_bundles>
